<compile_context>
chip_gen: v7x
topology: tpu7x:2x2x1
jax: 0.10.2.dev20260603
libtpu: 0.0.44.dev20260713+nightly
codegen_flags: <defaults>
</compile_context>

<pallas_src>
import functools

import jax
import jax.numpy as jnp
from jax import lax
from jax.experimental import pallas as pl
from jax.experimental.pallas import tpu as pltpu
from jax.experimental.pallas import tpu_sc as plsc

N_NODES = 10000
N_EDGES = 320000
F = 128

NC = 2
NS = 16
NW = NC * NS
CHUNK = 128
META = 4
N_META = 20
N_PAD = 10240
ROWS_PER_TILE = N_PAD // NS
E_PAD = NW * N_META * META * CHUNK
E_ROWS = N_EDGES // CHUNK
TAIL_ROWS = 64
TAIL_ROW0 = E_PAD // CHUNK - TAIL_ROWS


def _sc_aggregate_body(x_hbm, e_hbm, te_hbm, agg_out, deg_out,
                       eidx, rows_a, rows_b, degv, agg_sp,
                       gsem_a, gsem_b, ssem_a, ssem_b, isem):
    rows = rows_a
    c = lax.axis_index("c")
    s = lax.axis_index("s")
    wid = c * NS + s

    zero16 = jnp.zeros((16,), jnp.float32)
    one16 = jnp.full((16,), 1.0, jnp.float32)

    _ns = jax.named_scope
    def _zrow(i, _):
        for g in range(F // 16):
            rows[i, pl.ds(g * 16, 16)] = zero16
        return 0
    with _ns("zero_rows"):
        lax.fori_loop(0, CHUNK, _zrow, 0)

    def _zdeg(k, _):
        for u in range(4):
            degv[pl.ds(k * 64 + u * 16, 16)] = zero16
        return 0
    with _ns("zero_deg"):
        lax.fori_loop(0, N_PAD // 64, _zdeg, 0)

    with _ns("zero_slab"):
        for t in range(ROWS_PER_TILE // CHUNK):
            pltpu.async_copy(
                rows, agg_sp.at[pl.ds(s * ROWS_PER_TILE + t * CHUNK, CHUNK)], isem)
        for t in range(ROWS_PER_TILE // CHUNK):
            pltpu.make_async_copy(
                rows, agg_sp.at[pl.ds(s * ROWS_PER_TILE + t * CHUNK, CHUNK)],
                isem).wait()

    with _ns("barrier1"):
        plsc.subcore_barrier()

    def _deg_adds(b, j):
        for g in range(CHUNK // 16):
            idx16 = eidx[b, j, 0, pl.ds(g * 16, 16)]
            plsc.addupdate_scatter(degv, [idx16], one16)

    def _stage(m, b, sync):
        off = wid * (N_META * META) + m * META
        in_tail = off >= TAIL_ROW0

        @pl.when(in_tail)
        def _():
            if sync:
                pltpu.sync_copy(te_hbm.at[pl.ds(off - TAIL_ROW0, META)], eidx.at[b])
            else:
                pltpu.async_copy(te_hbm.at[pl.ds(off - TAIL_ROW0, META)],
                                 eidx.at[b], isem)

        @pl.when(jnp.logical_not(in_tail))
        def _():
            if sync:
                pltpu.sync_copy(e_hbm.at[pl.ds(off, META)], eidx.at[b])
            else:
                pltpu.async_copy(e_hbm.at[pl.ds(off, META)], eidx.at[b], isem)

    def _edges():
        _stage(0, 0, sync=True)
        _stage(1, 1, sync=False)
        pltpu.async_copy(x_hbm.at[eidx.at[0, 0, 1]], rows_a, gsem_a)
        pltpu.async_copy(x_hbm.at[eidx.at[0, 1, 1]], rows_b, gsem_b)

        def _pair(p, _):
            m = p // 2
            q = p % 2
            b = m % 2
            j = 2 * q

            pltpu.make_async_copy(x_hbm.at[eidx.at[b, j, 1]], rows_a, gsem_a).wait()
            sc_a = pltpu.async_copy(rows_a, agg_sp.at[eidx.at[b, j, 0]],
                                    ssem_a, add=True)
            _deg_adds(b, j)
            sc_a.wait()

            @pl.when(q == 0)
            def _():
                pltpu.async_copy(x_hbm.at[eidx.at[b, 2, 1]], rows_a, gsem_a)

            @pl.when((q == 1) & (m + 1 < N_META))
            def _():
                pltpu.make_async_copy(e_hbm.at[pl.ds(0, META)],
                                      eidx.at[1 - b], isem).wait()
                pltpu.async_copy(x_hbm.at[eidx.at[1 - b, 0, 1]], rows_a, gsem_a)

            pltpu.make_async_copy(x_hbm.at[eidx.at[b, j + 1, 1]], rows_b,
                                  gsem_b).wait()
            sc_b = pltpu.async_copy(rows_b, agg_sp.at[eidx.at[b, j + 1, 0]],
                                    ssem_b, add=True)
            _deg_adds(b, j + 1)
            sc_b.wait()

            @pl.when(q == 0)
            def _():
                pltpu.async_copy(x_hbm.at[eidx.at[b, 3, 1]], rows_b, gsem_b)

            @pl.when((q == 1) & (m + 1 < N_META))
            def _():
                pltpu.async_copy(x_hbm.at[eidx.at[1 - b, 1, 1]], rows_b, gsem_b)

                @pl.when(m + 2 < N_META)
                def _():
                    _stage(m + 2, b, sync=False)
            return 0

        lax.fori_loop(0, 2 * N_META, _pair, 0)

    with _ns("edges"):
        _edges()

    with _ns("barrier2"):
        plsc.subcore_barrier()

    with _ns("drain"):
        agg_cp = pltpu.async_copy(
            agg_sp.at[pl.ds(s * ROWS_PER_TILE, ROWS_PER_TILE)],
            agg_out.at[c, pl.ds(s * ROWS_PER_TILE, ROWS_PER_TILE)], isem)
        pltpu.sync_copy(degv, deg_out.at[wid])
        agg_cp.wait()


_sc_aggregate = pl.kernel(
    _sc_aggregate_body,
    out_type=(
        jax.ShapeDtypeStruct((NC, N_PAD, F), jnp.float32),
        jax.ShapeDtypeStruct((NW, N_PAD), jnp.float32),
    ),
    mesh=plsc.VectorSubcoreMesh(core_axis_name="c", subcore_axis_name="s"),
    compiler_params=pltpu.CompilerParams(needs_layout_passes=False),
    scratch_types=[
        pltpu.VMEM((2, META, 2, CHUNK), jnp.int32),
        pltpu.VMEM((CHUNK, F), jnp.float32),
        pltpu.VMEM((CHUNK, F), jnp.float32),
        pltpu.VMEM((N_PAD,), jnp.float32),
        pltpu.VMEM_SHARED((N_PAD, F), jnp.float32),
        pltpu.SemaphoreType.DMA,
        pltpu.SemaphoreType.DMA,
        pltpu.SemaphoreType.DMA,
        pltpu.SemaphoreType.DMA,
        pltpu.SemaphoreType.DMA,
    ],
)


def _tc_finish_body(x_ref, agg_ref, deg_ref, w_ref, b_ref, out_ref):
    h = agg_ref[0] + agg_ref[1] + x_ref[...]
    support = jax.lax.dot_general(
        h, w_ref[...], (((1,), (0,)), ((), ())),
        preferred_element_type=jnp.float32,
        precision=jax.lax.Precision.HIGHEST)
    deg = jnp.sum(deg_ref[...], axis=0) + 1.0
    out_ref[...] = support / deg[:, None] + b_ref[...]


def _tc_finish(x, agg, deg, W, b2d):
    blk = 1024
    grid = (N_PAD // blk,)
    return pl.pallas_call(
        _tc_finish_body,
        grid=grid,
        in_specs=[
            pl.BlockSpec((blk, F), lambda i: (i, 0)),
            pl.BlockSpec((NC, blk, F), lambda i: (0, i, 0)),
            pl.BlockSpec((NW, blk), lambda i: (0, i)),
            pl.BlockSpec((F, F), lambda i: (0, 0)),
            pl.BlockSpec((1, F), lambda i: (0, 0)),
        ],
        out_specs=pl.BlockSpec((blk, F), lambda i: (i, 0)),
        out_shape=jax.ShapeDtypeStruct((N_NODES, F), jnp.float32),
    )(x, agg, deg, W, b2d)


def kernel(input, edge_index, W, b):
    ei = edge_index.astype(jnp.int32)
    pad = E_PAD - N_EDGES
    e3 = jnp.swapaxes(ei.reshape(2, E_ROWS, CHUNK), 0, 1)
    dum_dst = (jnp.arange(pad, dtype=jnp.int32) % N_NODES).reshape(-1, CHUNK)
    dum_src = (N_NODES + jnp.arange(pad, dtype=jnp.int32)
               % (N_PAD - N_NODES)).reshape(-1, CHUNK)
    te = jnp.concatenate([e3[TAIL_ROW0:],
                          jnp.stack([dum_src, dum_dst], axis=1)])

    agg, deg = _sc_aggregate(input, e3, te)
    return _tc_finish(input, agg, deg, W, b.reshape(1, F))

# --- scband reference (transcript-rebuilt; emitter-appended) ---
"""Pipeline reference for scband-graph-convolution-cu-21560735826551 (READ-ONLY COPY).

The authoritative reference and input builder live on the scoring server;
editing this copy changes nothing except your own understanding.
"""

import jax, jax.numpy as jnp
import numpy as np

N_NODES = 10000
N_EDGES = 320000
IN_F = 128
OUT_F = 128


def setup_inputs(seed: int = 0) -> dict:
    key = jax.random.key(seed)
    k1, k2, k3, k4 = jax.random.split(key, 4)
    x = jax.random.normal(k1, (N_NODES, IN_F), dtype=jnp.float32)
    edge_index = jax.random.randint(k2, (2, N_EDGES), 0, N_NODES, dtype=jnp.int64)
    stdv = 1.0 / np.sqrt(OUT_F)
    W = jax.random.uniform(k3, (IN_F, OUT_F), minval=-stdv, maxval=stdv, dtype=jnp.float32)
    b = jax.random.uniform(k4, (OUT_F,), minval=-stdv, maxval=stdv, dtype=jnp.float32)
    return {"input": x, "edge_index": edge_index, "W": W, "b": b}


def reference(input, edge_index, W, b):
    # support = input @ weight
    support = input @ W
    src = edge_index[0]
    dst = edge_index[1]
    n = input.shape[0]
    # The torch loop builds, for each node, the unique set of neighbor
    # targets in its radius-1 ego graph (which includes the node itself)
    # and averages 'support' rows over that set. Equivalent vectorized:
    # scatter-add support[dst] to src (gather + scatter-add), plus a
    # self contribution, then divide by (out-degree + 1).
    agg = jnp.zeros((n, support.shape[1]), dtype=support.dtype)
    agg = agg.at[src].add(support[dst])
    agg = agg + support  # self-loop from ego graph including the center node
    deg = jnp.zeros((n,), dtype=support.dtype).at[src].add(1.0) + 1.0
    output = agg / deg[:, None]
    return output + b

if __name__ == "__main__":
    import jax
    _d = setup_inputs()
    print(jax.jit(kernel)(*tuple(_d.values())))

</pallas_src>

<mosaic_0001>
#map = affine_map<(d0, d1) -> (0, 0)>
#map1 = affine_map<(d0, d1) -> (0, 0, 0)>
module attributes {stable_mosaic.version = 14 : i64} {
  func.func @_sc_aggregate_body(%arg0: i32, %arg1: i32, %arg2: memref<10000x128xf32, #tpu.memory_space<hbm>>, %arg3: memref<2500x2x128xi32, #tpu.memory_space<hbm>>, %arg4: memref<64x2x128xi32, #tpu.memory_space<hbm>>, %arg5: memref<2x10240x128xf32, #tpu.memory_space<hbm>>, %arg6: memref<32x10240xf32, #tpu.memory_space<hbm>>, %arg7: memref<2x4x2x128xi32, #tpu.memory_space<vmem>>, %arg8: memref<128x128xf32, #tpu.memory_space<vmem>>, %arg9: memref<128x128xf32, #tpu.memory_space<vmem>>, %arg10: memref<10240xf32, #tpu.memory_space<vmem>>, %arg11: memref<10240x128xf32, #tpu.memory_space<vmem_shared>>, %arg12: memref<!tpu.dma_semaphore, #tpu.memory_space<semaphore_mem>>, %arg13: memref<!tpu.dma_semaphore, #tpu.memory_space<semaphore_mem>>, %arg14: memref<!tpu.dma_semaphore, #tpu.memory_space<semaphore_mem>>, %arg15: memref<!tpu.dma_semaphore, #tpu.memory_space<semaphore_mem>>, %arg16: memref<!tpu.dma_semaphore, #tpu.memory_space<semaphore_mem>>) attributes {dimension_semantics = [#tpu.dimension_semantics<core_parallel>, #tpu.dimension_semantics<subcore_parallel>], iteration_bounds = array<i64: 2, 16>, scalar_prefetch = 0 : i64, scratch_operands = 10 : i64, tpu.core_type = #tpu.core_type<sc_vector_subcore>, window_params = [{transform_indices = #map}, {transform_indices = #map1}, {transform_indices = #map1}, {transform_indices = #map1}, {transform_indices = #map}]} {
    %mul3A = arith.constant 16 : i32
    %mul3A_0 = arith.muli %arg0, %mul3A : i32
    %add3A = arith.addi %mul3A_0, %arg1 : i32
    %broadcast_in_dim3A = arith.constant 0.000000e+00 : f32
    %broadcast_in_dim3A_1 = vector.broadcast %broadcast_in_dim3A : f32 to vector<16xf32>
    %broadcast_in_dim3A_2 = arith.constant 1.000000e+00 : f32
    %broadcast_in_dim3A_3 = vector.broadcast %broadcast_in_dim3A_2 : f32 to vector<16xf32>
    "tpu.trace_start"() <{level = 10 : i32, message = "zero_rows"}> : () -> ()
    %scan3A = arith.constant 0 : i32
    %scan3A_4 = arith.constant 0 : i32
    %scan3A_5 = arith.constant 128 : i32
    %scan3A_6 = arith.addi %scan3A_4, %scan3A_5 : i32
    %scan3A_7 = arith.constant 1 : i32
    %scan3A_8 = scf.for %scan3A_159 = %scan3A_4 to %scan3A_6 step %scan3A_7 iter_args(%scan3A_160 = %scan3A) -> (i32)  : i32 {
      %swap3A = arith.index_cast %scan3A_159 : i32 to index
      %swap3A_161 = arith.constant 0 : index
      %swap3A_162 = tpu.vector_load %arg8[%swap3A, %swap3A_161] {strides = array<i32>} : memref<128x128xf32, #tpu.memory_space<vmem>>, vector<16xf32>,
      tpu.vector_store %arg8[%swap3A, %swap3A_161], %broadcast_in_dim3A_1 {strides = array<i32>} : memref<128x128xf32, #tpu.memory_space<vmem>>, vector<16xf32>,
      %swap3A_163 = arith.index_cast %scan3A_159 : i32 to index
      %swap3A_164 = arith.constant 16 : index
      %swap3A_165 = tpu.vector_load %arg8[%swap3A_163, %swap3A_164] {strides = array<i32>} : memref<128x128xf32, #tpu.memory_space<vmem>>, vector<16xf32>,
      tpu.vector_store %arg8[%swap3A_163, %swap3A_164], %broadcast_in_dim3A_1 {strides = array<i32>} : memref<128x128xf32, #tpu.memory_space<vmem>>, vector<16xf32>,
      %swap3A_166 = arith.index_cast %scan3A_159 : i32 to index
      %swap3A_167 = arith.constant 32 : index
      %swap3A_168 = tpu.vector_load %arg8[%swap3A_166, %swap3A_167] {strides = array<i32>} : memref<128x128xf32, #tpu.memory_space<vmem>>, vector<16xf32>,
      tpu.vector_store %arg8[%swap3A_166, %swap3A_167], %broadcast_in_dim3A_1 {strides = array<i32>} : memref<128x128xf32, #tpu.memory_space<vmem>>, vector<16xf32>,
      %swap3A_169 = arith.index_cast %scan3A_159 : i32 to index
      %swap3A_170 = arith.constant 48 : index
      %swap3A_171 = tpu.vector_load %arg8[%swap3A_169, %swap3A_170] {strides = array<i32>} : memref<128x128xf32, #tpu.memory_space<vmem>>, vector<16xf32>,
      tpu.vector_store %arg8[%swap3A_169, %swap3A_170], %broadcast_in_dim3A_1 {strides = array<i32>} : memref<128x128xf32, #tpu.memory_space<vmem>>, vector<16xf32>,
      %swap3A_172 = arith.index_cast %scan3A_159 : i32 to index
      %swap3A_173 = arith.constant 64 : index
      %swap3A_174 = tpu.vector_load %arg8[%swap3A_172, %swap3A_173] {strides = array<i32>} : memref<128x128xf32, #tpu.memory_space<vmem>>, vector<16xf32>,
      tpu.vector_store %arg8[%swap3A_172, %swap3A_173], %broadcast_in_dim3A_1 {strides = array<i32>} : memref<128x128xf32, #tpu.memory_space<vmem>>, vector<16xf32>,
      %swap3A_175 = arith.index_cast %scan3A_159 : i32 to index
      %swap3A_176 = arith.constant 80 : index
      %swap3A_177 = tpu.vector_load %arg8[%swap3A_175, %swap3A_176] {strides = array<i32>} : memref<128x128xf32, #tpu.memory_space<vmem>>, vector<16xf32>,
      tpu.vector_store %arg8[%swap3A_175, %swap3A_176], %broadcast_in_dim3A_1 {strides = array<i32>} : memref<128x128xf32, #tpu.memory_space<vmem>>, vector<16xf32>,
      %swap3A_178 = arith.index_cast %scan3A_159 : i32 to index
      %swap3A_179 = arith.constant 96 : index
      %swap3A_180 = tpu.vector_load %arg8[%swap3A_178, %swap3A_179] {strides = array<i32>} : memref<128x128xf32, #tpu.memory_space<vmem>>, vector<16xf32>,
      tpu.vector_store %arg8[%swap3A_178, %swap3A_179], %broadcast_in_dim3A_1 {strides = array<i32>} : memref<128x128xf32, #tpu.memory_space<vmem>>, vector<16xf32>,
      %swap3A_181 = arith.index_cast %scan3A_159 : i32 to index
      %swap3A_182 = arith.constant 112 : index
      %swap3A_183 = tpu.vector_load %arg8[%swap3A_181, %swap3A_182] {strides = array<i32>} : memref<128x128xf32, #tpu.memory_space<vmem>>, vector<16xf32>,
      tpu.vector_store %arg8[%swap3A_181, %swap3A_182], %broadcast_in_dim3A_1 {strides = array<i32>} : memref<128x128xf32, #tpu.memory_space<vmem>>, vector<16xf32>,
      %scan3A_184 = arith.constant 0 : i32
      scf.yield %scan3A_184 : i32
    }
    %scan3A_9 = arith.constant 128 : i32
    "tpu.trace_stop"() : () -> ()
    "tpu.trace_start"() <{level = 10 : i32, message = "zero_deg"}> : () -> ()
    %scan3A_10 = arith.constant 0 : i32
    %scan3A_11 = arith.constant 0 : i32
    %scan3A_12 = arith.constant 160 : i32
    %scan3A_13 = arith.addi %scan3A_11, %scan3A_12 : i32
    %scan3A_14 = arith.constant 1 : i32
    %scan3A_15 = scf.for %scan3A_159 = %scan3A_11 to %scan3A_13 step %scan3A_14 iter_args(%scan3A_160 = %scan3A_10) -> (i32)  : i32 {
      %mul3A_161 = arith.constant 64 : i32
      %mul3A_162 = arith.muli %scan3A_159, %mul3A_161 : i32
      %add3A_163 = arith.constant 0 : i32
      %add3A_164 = arith.addi %mul3A_162, %add3A_163 : i32
      %swap3A = arith.index_cast %add3A_164 : i32 to index
      %swap3A_165 = tpu.vector_load %arg10[%swap3A] {strides = array<i32>} : memref<10240xf32, #tpu.memory_space<vmem>>, vector<16xf32>,
      tpu.vector_store %arg10[%swap3A], %broadcast_in_dim3A_1 {strides = array<i32>} : memref<10240xf32, #tpu.memory_space<vmem>>, vector<16xf32>,
      %mul3A_166 = arith.constant 64 : i32
      %mul3A_167 = arith.muli %scan3A_159, %mul3A_166 : i32
      %add3A_168 = arith.constant 16 : i32
      %add3A_169 = arith.addi %mul3A_167, %add3A_168 : i32
      %swap3A_170 = arith.index_cast %add3A_169 : i32 to index
      %swap3A_171 = tpu.vector_load %arg10[%swap3A_170] {strides = array<i32>} : memref<10240xf32, #tpu.memory_space<vmem>>, vector<16xf32>,
      tpu.vector_store %arg10[%swap3A_170], %broadcast_in_dim3A_1 {strides = array<i32>} : memref<10240xf32, #tpu.memory_space<vmem>>, vector<16xf32>,
      %mul3A_172 = arith.constant 64 : i32
      %mul3A_173 = arith.muli %scan3A_159, %mul3A_172 : i32
      %add3A_174 = arith.constant 32 : i32
      %add3A_175 = arith.addi %mul3A_173, %add3A_174 : i32
      %swap3A_176 = arith.index_cast %add3A_175 : i32 to index
      %swap3A_177 = tpu.vector_load %arg10[%swap3A_176] {strides = array<i32>} : memref<10240xf32, #tpu.memory_space<vmem>>, vector<16xf32>,
      tpu.vector_store %arg10[%swap3A_176], %broadcast_in_dim3A_1 {strides = array<i32>} : memref<10240xf32, #tpu.memory_space<vmem>>, vector<16xf32>,
      %mul3A_178 = arith.constant 64 : i32
      %mul3A_179 = arith.muli %scan3A_159, %mul3A_178 : i32
      %add3A_180 = arith.constant 48 : i32
      %add3A_181 = arith.addi %mul3A_179, %add3A_180 : i32
      %swap3A_182 = arith.index_cast %add3A_181 : i32 to index
      %swap3A_183 = tpu.vector_load %arg10[%swap3A_182] {strides = array<i32>} : memref<10240xf32, #tpu.memory_space<vmem>>, vector<16xf32>,
      tpu.vector_store %arg10[%swap3A_182], %broadcast_in_dim3A_1 {strides = array<i32>} : memref<10240xf32, #tpu.memory_space<vmem>>, vector<16xf32>,
      %scan3A_184 = arith.constant 0 : i32
      scf.yield %scan3A_184 : i32
    }
    %scan3A_16 = arith.constant 160 : i32
    "tpu.trace_stop"() : () -> ()
    "tpu.trace_start"() <{level = 10 : i32, message = "zero_slab"}> : () -> ()
    %mul3A_17 = arith.constant 640 : i32
    %mul3A_18 = arith.muli %arg1, %mul3A_17 : i32
    %add3A_19 = arith.constant 0 : i32
    %add3A_20 = arith.addi %mul3A_18, %add3A_19 : i32
    %dma_start3A = arith.constant 0 : i32
    %dma_start3A_21 = tpu.memref_slice %arg11[%add3A_20, %dma_start3A] : memref<10240x128xf32, #tpu.memory_space<vmem_shared>> -> memref<128x128xf32, #tpu.memory_space<vmem_shared>>
    %dma_start3A_22 = arith.constant 0 : i32
    %dma_start3A_23 = tpu.memref_slice %arg11[%add3A_20, %dma_start3A_22] : memref<10240x128xf32, #tpu.memory_space<vmem_shared>> -> memref<128x128xf32, #tpu.memory_space<vmem_shared>>
    tpu.enqueue_dma source(%arg8 : memref<128x128xf32, #tpu.memory_space<vmem>>) target(%dma_start3A_23 : memref<128x128xf32, #tpu.memory_space<vmem_shared>>) target_semaphore(%arg16 : memref<!tpu.dma_semaphore, #tpu.memory_space<semaphore_mem>>)
    %mul3A_24 = arith.constant 640 : i32
    %mul3A_25 = arith.muli %arg1, %mul3A_24 : i32
    %add3A_26 = arith.constant 128 : i32
    %add3A_27 = arith.addi %mul3A_25, %add3A_26 : i32
    %dma_start3A_28 = arith.constant 0 : i32
    %dma_start3A_29 = tpu.memref_slice %arg11[%add3A_27, %dma_start3A_28] : memref<10240x128xf32, #tpu.memory_space<vmem_shared>> -> memref<128x128xf32, #tpu.memory_space<vmem_shared>>
    %dma_start3A_30 = arith.constant 0 : i32
    %dma_start3A_31 = tpu.memref_slice %arg11[%add3A_27, %dma_start3A_30] : memref<10240x128xf32, #tpu.memory_space<vmem_shared>> -> memref<128x128xf32, #tpu.memory_space<vmem_shared>>
    tpu.enqueue_dma source(%arg8 : memref<128x128xf32, #tpu.memory_space<vmem>>) target(%dma_start3A_31 : memref<128x128xf32, #tpu.memory_space<vmem_shared>>) target_semaphore(%arg16 : memref<!tpu.dma_semaphore, #tpu.memory_space<semaphore_mem>>)
    %mul3A_32 = arith.constant 640 : i32
    %mul3A_33 = arith.muli %arg1, %mul3A_32 : i32
    %add3A_34 = arith.constant 256 : i32
    %add3A_35 = arith.addi %mul3A_33, %add3A_34 : i32
    %dma_start3A_36 = arith.constant 0 : i32
    %dma_start3A_37 = tpu.memref_slice %arg11[%add3A_35, %dma_start3A_36] : memref<10240x128xf32, #tpu.memory_space<vmem_shared>> -> memref<128x128xf32, #tpu.memory_space<vmem_shared>>
    %dma_start3A_38 = arith.constant 0 : i32
    %dma_start3A_39 = tpu.memref_slice %arg11[%add3A_35, %dma_start3A_38] : memref<10240x128xf32, #tpu.memory_space<vmem_shared>> -> memref<128x128xf32, #tpu.memory_space<vmem_shared>>
    tpu.enqueue_dma source(%arg8 : memref<128x128xf32, #tpu.memory_space<vmem>>) target(%dma_start3A_39 : memref<128x128xf32, #tpu.memory_space<vmem_shared>>) target_semaphore(%arg16 : memref<!tpu.dma_semaphore, #tpu.memory_space<semaphore_mem>>)
    %mul3A_40 = arith.constant 640 : i32
    %mul3A_41 = arith.muli %arg1, %mul3A_40 : i32
    %add3A_42 = arith.constant 384 : i32
    %add3A_43 = arith.addi %mul3A_41, %add3A_42 : i32
    %dma_start3A_44 = arith.constant 0 : i32
    %dma_start3A_45 = tpu.memref_slice %arg11[%add3A_43, %dma_start3A_44] : memref<10240x128xf32, #tpu.memory_space<vmem_shared>> -> memref<128x128xf32, #tpu.memory_space<vmem_shared>>
    %dma_start3A_46 = arith.constant 0 : i32
    %dma_start3A_47 = tpu.memref_slice %arg11[%add3A_43, %dma_start3A_46] : memref<10240x128xf32, #tpu.memory_space<vmem_shared>> -> memref<128x128xf32, #tpu.memory_space<vmem_shared>>
    tpu.enqueue_dma source(%arg8 : memref<128x128xf32, #tpu.memory_space<vmem>>) target(%dma_start3A_47 : memref<128x128xf32, #tpu.memory_space<vmem_shared>>) target_semaphore(%arg16 : memref<!tpu.dma_semaphore, #tpu.memory_space<semaphore_mem>>)
    %mul3A_48 = arith.constant 640 : i32
    %mul3A_49 = arith.muli %arg1, %mul3A_48 : i32
    %add3A_50 = arith.constant 512 : i32
    %add3A_51 = arith.addi %mul3A_49, %add3A_50 : i32
    %dma_start3A_52 = arith.constant 0 : i32
    %dma_start3A_53 = tpu.memref_slice %arg11[%add3A_51, %dma_start3A_52] : memref<10240x128xf32, #tpu.memory_space<vmem_shared>> -> memref<128x128xf32, #tpu.memory_space<vmem_shared>>
    %dma_start3A_54 = arith.constant 0 : i32
    %dma_start3A_55 = tpu.memref_slice %arg11[%add3A_51, %dma_start3A_54] : memref<10240x128xf32, #tpu.memory_space<vmem_shared>> -> memref<128x128xf32, #tpu.memory_space<vmem_shared>>
    tpu.enqueue_dma source(%arg8 : memref<128x128xf32, #tpu.memory_space<vmem>>) target(%dma_start3A_55 : memref<128x128xf32, #tpu.memory_space<vmem_shared>>) target_semaphore(%arg16 : memref<!tpu.dma_semaphore, #tpu.memory_space<semaphore_mem>>)
    %mul3A_56 = arith.constant 640 : i32
    %mul3A_57 = arith.muli %arg1, %mul3A_56 : i32
    %add3A_58 = arith.constant 0 : i32
    %add3A_59 = arith.addi %mul3A_57, %add3A_58 : i32
    %dma_wait3A = arith.constant 0 : i32
    %dma_wait3A_60 = tpu.memref_slice %arg11[%add3A_59, %dma_wait3A] : memref<10240x128xf32, #tpu.memory_space<vmem_shared>> -> memref<128x128xf32, #tpu.memory_space<vmem_shared>>
    %dma_wait3A_61 = arith.constant 0 : i32
    %dma_wait3A_62 = tpu.memref_slice %arg11[%add3A_59, %dma_wait3A_61] : memref<10240x128xf32, #tpu.memory_space<vmem_shared>> -> memref<128x128xf32, #tpu.memory_space<vmem_shared>>
    tpu.wait_dma2 semaphore(%arg16 : memref<!tpu.dma_semaphore, #tpu.memory_space<semaphore_mem>>) src(%arg8 : memref<128x128xf32, #tpu.memory_space<vmem>>) dst(%dma_wait3A_62 : memref<128x128xf32, #tpu.memory_space<vmem_shared>>)
    %mul3A_63 = arith.constant 640 : i32
    %mul3A_64 = arith.muli %arg1, %mul3A_63 : i32
    %add3A_65 = arith.constant 128 : i32
    %add3A_66 = arith.addi %mul3A_64, %add3A_65 : i32
    %dma_wait3A_67 = arith.constant 0 : i32
    %dma_wait3A_68 = tpu.memref_slice %arg11[%add3A_66, %dma_wait3A_67] : memref<10240x128xf32, #tpu.memory_space<vmem_shared>> -> memref<128x128xf32, #tpu.memory_space<vmem_shared>>
    %dma_wait3A_69 = arith.constant 0 : i32
    %dma_wait3A_70 = tpu.memref_slice %arg11[%add3A_66, %dma_wait3A_69] : memref<10240x128xf32, #tpu.memory_space<vmem_shared>> -> memref<128x128xf32, #tpu.memory_space<vmem_shared>>
    tpu.wait_dma2 semaphore(%arg16 : memref<!tpu.dma_semaphore, #tpu.memory_space<semaphore_mem>>) src(%arg8 : memref<128x128xf32, #tpu.memory_space<vmem>>) dst(%dma_wait3A_70 : memref<128x128xf32, #tpu.memory_space<vmem_shared>>)
    %mul3A_71 = arith.constant 640 : i32
    %mul3A_72 = arith.muli %arg1, %mul3A_71 : i32
    %add3A_73 = arith.constant 256 : i32
    %add3A_74 = arith.addi %mul3A_72, %add3A_73 : i32
    %dma_wait3A_75 = arith.constant 0 : i32
    %dma_wait3A_76 = tpu.memref_slice %arg11[%add3A_74, %dma_wait3A_75] : memref<10240x128xf32, #tpu.memory_space<vmem_shared>> -> memref<128x128xf32, #tpu.memory_space<vmem_shared>>
    %dma_wait3A_77 = arith.constant 0 : i32
    %dma_wait3A_78 = tpu.memref_slice %arg11[%add3A_74, %dma_wait3A_77] : memref<10240x128xf32, #tpu.memory_space<vmem_shared>> -> memref<128x128xf32, #tpu.memory_space<vmem_shared>>
    tpu.wait_dma2 semaphore(%arg16 : memref<!tpu.dma_semaphore, #tpu.memory_space<semaphore_mem>>) src(%arg8 : memref<128x128xf32, #tpu.memory_space<vmem>>) dst(%dma_wait3A_78 : memref<128x128xf32, #tpu.memory_space<vmem_shared>>)
    %mul3A_79 = arith.constant 640 : i32
    %mul3A_80 = arith.muli %arg1, %mul3A_79 : i32
    %add3A_81 = arith.constant 384 : i32
    %add3A_82 = arith.addi %mul3A_80, %add3A_81 : i32
    %dma_wait3A_83 = arith.constant 0 : i32
    %dma_wait3A_84 = tpu.memref_slice %arg11[%add3A_82, %dma_wait3A_83] : memref<10240x128xf32, #tpu.memory_space<vmem_shared>> -> memref<128x128xf32, #tpu.memory_space<vmem_shared>>
    %dma_wait3A_85 = arith.constant 0 : i32
    %dma_wait3A_86 = tpu.memref_slice %arg11[%add3A_82, %dma_wait3A_85] : memref<10240x128xf32, #tpu.memory_space<vmem_shared>> -> memref<128x128xf32, #tpu.memory_space<vmem_shared>>
    tpu.wait_dma2 semaphore(%arg16 : memref<!tpu.dma_semaphore, #tpu.memory_space<semaphore_mem>>) src(%arg8 : memref<128x128xf32, #tpu.memory_space<vmem>>) dst(%dma_wait3A_86 : memref<128x128xf32, #tpu.memory_space<vmem_shared>>)
    %mul3A_87 = arith.constant 640 : i32
    %mul3A_88 = arith.muli %arg1, %mul3A_87 : i32
    %add3A_89 = arith.constant 512 : i32
    %add3A_90 = arith.addi %mul3A_88, %add3A_89 : i32
    %dma_wait3A_91 = arith.constant 0 : i32
    %dma_wait3A_92 = tpu.memref_slice %arg11[%add3A_90, %dma_wait3A_91] : memref<10240x128xf32, #tpu.memory_space<vmem_shared>> -> memref<128x128xf32, #tpu.memory_space<vmem_shared>>
    %dma_wait3A_93 = arith.constant 0 : i32
    %dma_wait3A_94 = tpu.memref_slice %arg11[%add3A_90, %dma_wait3A_93] : memref<10240x128xf32, #tpu.memory_space<vmem_shared>> -> memref<128x128xf32, #tpu.memory_space<vmem_shared>>
    tpu.wait_dma2 semaphore(%arg16 : memref<!tpu.dma_semaphore, #tpu.memory_space<semaphore_mem>>) src(%arg8 : memref<128x128xf32, #tpu.memory_space<vmem>>) dst(%dma_wait3A_94 : memref<128x128xf32, #tpu.memory_space<vmem_shared>>)
    "tpu.trace_stop"() : () -> ()
    "tpu.trace_start"() <{level = 10 : i32, message = "barrier1"}> : () -> ()
    %barrier3A = arith.constant 0 : index
    tpu.barrier barrier_id(%barrier3A)
    "tpu.trace_stop"() : () -> ()
    "tpu.trace_start"() <{level = 10 : i32, message = "edges"}> : () -> ()
    %mul3A_95 = arith.constant 80 : i32
    %mul3A_96 = arith.muli %add3A, %mul3A_95 : i32
    %add3A_97 = arith.constant 0 : i32
    %add3A_98 = arith.addi %mul3A_96, %add3A_97 : i32
    %ge3A = arith.constant 2496 : i32
    %ge3A_99 = arith.cmpi sge, %add3A_98, %ge3A : i32
    %convert_element_type3A = arith.extui %ge3A_99 : i1 to i32
    %cond3A = arith.constant 0 : i32
    %cond3A_100 = arith.cmpi ne, %convert_element_type3A, %cond3A : i32
    scf.if %cond3A_100 {
      %sub3A = arith.constant 2496 : i32
      %sub3A_159 = arith.subi %add3A_98, %sub3A : i32
      %run_scoped3A = arith.constant 0 : i32
      "tpu.region"() ({
        %run_scoped3A_160 = tpu.sem_alloc : memref<!tpu.dma_semaphore, #tpu.memory_space<semaphore_mem>>
        %dma_start3A_161 = arith.constant 0 : i32
        %dma_start3A_162 = arith.constant 0 : i32
        %dma_start3A_163 = arith.constant 0 : i32
        %dma_start3A_164 = tpu.memref_slice %arg7[%run_scoped3A, %dma_start3A_161, %dma_start3A_162, %dma_start3A_163] : memref<2x4x2x128xi32, #tpu.memory_space<vmem>> -> memref<1x4x2x128xi32, #tpu.memory_space<vmem>>
        %dma_start3A_165 = tpu.memref_squeeze %dma_start3A_164 : memref<1x4x2x128xi32, #tpu.memory_space<vmem>> -> memref<4x2x128xi32, #tpu.memory_space<vmem>>
        %dma_start3A_166 = arith.constant 0 : i32
        %dma_start3A_167 = arith.constant 0 : i32
        %dma_start3A_168 = tpu.memref_slice %arg4[%sub3A_159, %dma_start3A_166, %dma_start3A_167] : memref<64x2x128xi32, #tpu.memory_space<hbm>> -> memref<4x2x128xi32, #tpu.memory_space<hbm>>
        %dma_start3A_169 = arith.constant 0 : i32
        %dma_start3A_170 = arith.constant 0 : i32
        %dma_start3A_171 = arith.constant 0 : i32
        %dma_start3A_172 = tpu.memref_slice %arg7[%run_scoped3A, %dma_start3A_169, %dma_start3A_170, %dma_start3A_171] : memref<2x4x2x128xi32, #tpu.memory_space<vmem>> -> memref<1x4x2x128xi32, #tpu.memory_space<vmem>>
        %dma_start3A_173 = tpu.memref_squeeze %dma_start3A_172 : memref<1x4x2x128xi32, #tpu.memory_space<vmem>> -> memref<4x2x128xi32, #tpu.memory_space<vmem>>
        %dma_start3A_174 = arith.constant 0 : i32
        %dma_start3A_175 = arith.constant 0 : i32
        %dma_start3A_176 = tpu.memref_slice %arg4[%sub3A_159, %dma_start3A_174, %dma_start3A_175] : memref<64x2x128xi32, #tpu.memory_space<hbm>> -> memref<4x2x128xi32, #tpu.memory_space<hbm>>
        tpu.enqueue_dma source(%dma_start3A_176 : memref<4x2x128xi32, #tpu.memory_space<hbm>>) target(%dma_start3A_173 : memref<4x2x128xi32, #tpu.memory_space<vmem>>) target_semaphore(%run_scoped3A_160 : memref<!tpu.dma_semaphore, #tpu.memory_space<semaphore_mem>>)
        %dma_wait3A_177 = arith.constant 0 : i32
        %dma_wait3A_178 = arith.constant 0 : i32
        %dma_wait3A_179 = arith.constant 0 : i32
        %dma_wait3A_180 = tpu.memref_slice %arg7[%run_scoped3A, %dma_wait3A_177, %dma_wait3A_178, %dma_wait3A_179] : memref<2x4x2x128xi32, #tpu.memory_space<vmem>> -> memref<1x4x2x128xi32, #tpu.memory_space<vmem>>
        %dma_wait3A_181 = tpu.memref_squeeze %dma_wait3A_180 : memref<1x4x2x128xi32, #tpu.memory_space<vmem>> -> memref<4x2x128xi32, #tpu.memory_space<vmem>>
        %dma_wait3A_182 = arith.constant 0 : i32
        %dma_wait3A_183 = arith.constant 0 : i32
        %dma_wait3A_184 = tpu.memref_slice %arg4[%sub3A_159, %dma_wait3A_182, %dma_wait3A_183] : memref<64x2x128xi32, #tpu.memory_space<hbm>> -> memref<4x2x128xi32, #tpu.memory_space<hbm>>
        %dma_wait3A_185 = arith.constant 0 : i32
        %dma_wait3A_186 = arith.constant 0 : i32
        %dma_wait3A_187 = arith.constant 0 : i32
        %dma_wait3A_188 = tpu.memref_slice %arg7[%run_scoped3A, %dma_wait3A_185, %dma_wait3A_186, %dma_wait3A_187] : memref<2x4x2x128xi32, #tpu.memory_space<vmem>> -> memref<1x4x2x128xi32, #tpu.memory_space<vmem>>
        %dma_wait3A_189 = tpu.memref_squeeze %dma_wait3A_188 : memref<1x4x2x128xi32, #tpu.memory_space<vmem>> -> memref<4x2x128xi32, #tpu.memory_space<vmem>>
        %dma_wait3A_190 = arith.constant 0 : i32
        %dma_wait3A_191 = arith.constant 0 : i32
        %dma_wait3A_192 = tpu.memref_slice %arg4[%sub3A_159, %dma_wait3A_190, %dma_wait3A_191] : memref<64x2x128xi32, #tpu.memory_space<hbm>> -> memref<4x2x128xi32, #tpu.memory_space<hbm>>
        tpu.wait_dma2 semaphore(%run_scoped3A_160 : memref<!tpu.dma_semaphore, #tpu.memory_space<semaphore_mem>>) src(%dma_wait3A_192 : memref<4x2x128xi32, #tpu.memory_space<hbm>>) dst(%dma_wait3A_189 : memref<4x2x128xi32, #tpu.memory_space<vmem>>)
        tpu.yield
      }) : () -> ()
    } else {
    }
    %not3A = arith.constant true
    %not3A_101 = arith.xori %ge3A_99, %not3A : i1
    %convert_element_type3A_102 = arith.extui %not3A_101 : i1 to i32
    %cond3A_103 = arith.constant 0 : i32
    %cond3A_104 = arith.cmpi ne, %convert_element_type3A_102, %cond3A_103 : i32
    scf.if %cond3A_104 {
      %run_scoped3A = arith.constant 0 : i32
      "tpu.region"() ({
        %run_scoped3A_159 = tpu.sem_alloc : memref<!tpu.dma_semaphore, #tpu.memory_space<semaphore_mem>>
        %dma_start3A_160 = arith.constant 0 : i32
        %dma_start3A_161 = arith.constant 0 : i32
        %dma_start3A_162 = arith.constant 0 : i32
        %dma_start3A_163 = tpu.memref_slice %arg7[%run_scoped3A, %dma_start3A_160, %dma_start3A_161, %dma_start3A_162] : memref<2x4x2x128xi32, #tpu.memory_space<vmem>> -> memref<1x4x2x128xi32, #tpu.memory_space<vmem>>
        %dma_start3A_164 = tpu.memref_squeeze %dma_start3A_163 : memref<1x4x2x128xi32, #tpu.memory_space<vmem>> -> memref<4x2x128xi32, #tpu.memory_space<vmem>>
        %dma_start3A_165 = arith.constant 0 : i32
        %dma_start3A_166 = arith.constant 0 : i32
        %dma_start3A_167 = tpu.memref_slice %arg3[%add3A_98, %dma_start3A_165, %dma_start3A_166] : memref<2500x2x128xi32, #tpu.memory_space<hbm>> -> memref<4x2x128xi32, #tpu.memory_space<hbm>>
        %dma_start3A_168 = arith.constant 0 : i32
        %dma_start3A_169 = arith.constant 0 : i32
        %dma_start3A_170 = arith.constant 0 : i32
        %dma_start3A_171 = tpu.memref_slice %arg7[%run_scoped3A, %dma_start3A_168, %dma_start3A_169, %dma_start3A_170] : memref<2x4x2x128xi32, #tpu.memory_space<vmem>> -> memref<1x4x2x128xi32, #tpu.memory_space<vmem>>
        %dma_start3A_172 = tpu.memref_squeeze %dma_start3A_171 : memref<1x4x2x128xi32, #tpu.memory_space<vmem>> -> memref<4x2x128xi32, #tpu.memory_space<vmem>>
        %dma_start3A_173 = arith.constant 0 : i32
        %dma_start3A_174 = arith.constant 0 : i32
        %dma_start3A_175 = tpu.memref_slice %arg3[%add3A_98, %dma_start3A_173, %dma_start3A_174] : memref<2500x2x128xi32, #tpu.memory_space<hbm>> -> memref<4x2x128xi32, #tpu.memory_space<hbm>>
        tpu.enqueue_dma source(%dma_start3A_175 : memref<4x2x128xi32, #tpu.memory_space<hbm>>) target(%dma_start3A_172 : memref<4x2x128xi32, #tpu.memory_space<vmem>>) target_semaphore(%run_scoped3A_159 : memref<!tpu.dma_semaphore, #tpu.memory_space<semaphore_mem>>)
        %dma_wait3A_176 = arith.constant 0 : i32
        %dma_wait3A_177 = arith.constant 0 : i32
        %dma_wait3A_178 = arith.constant 0 : i32
        %dma_wait3A_179 = tpu.memref_slice %arg7[%run_scoped3A, %dma_wait3A_176, %dma_wait3A_177, %dma_wait3A_178] : memref<2x4x2x128xi32, #tpu.memory_space<vmem>> -> memref<1x4x2x128xi32, #tpu.memory_space<vmem>>
        %dma_wait3A_180 = tpu.memref_squeeze %dma_wait3A_179 : memref<1x4x2x128xi32, #tpu.memory_space<vmem>> -> memref<4x2x128xi32, #tpu.memory_space<vmem>>
        %dma_wait3A_181 = arith.constant 0 : i32
        %dma_wait3A_182 = arith.constant 0 : i32
        %dma_wait3A_183 = tpu.memref_slice %arg3[%add3A_98, %dma_wait3A_181, %dma_wait3A_182] : memref<2500x2x128xi32, #tpu.memory_space<hbm>> -> memref<4x2x128xi32, #tpu.memory_space<hbm>>
        %dma_wait3A_184 = arith.constant 0 : i32
        %dma_wait3A_185 = arith.constant 0 : i32
        %dma_wait3A_186 = arith.constant 0 : i32
        %dma_wait3A_187 = tpu.memref_slice %arg7[%run_scoped3A, %dma_wait3A_184, %dma_wait3A_185, %dma_wait3A_186] : memref<2x4x2x128xi32, #tpu.memory_space<vmem>> -> memref<1x4x2x128xi32, #tpu.memory_space<vmem>>
        %dma_wait3A_188 = tpu.memref_squeeze %dma_wait3A_187 : memref<1x4x2x128xi32, #tpu.memory_space<vmem>> -> memref<4x2x128xi32, #tpu.memory_space<vmem>>
        %dma_wait3A_189 = arith.constant 0 : i32
        %dma_wait3A_190 = arith.constant 0 : i32
        %dma_wait3A_191 = tpu.memref_slice %arg3[%add3A_98, %dma_wait3A_189, %dma_wait3A_190] : memref<2500x2x128xi32, #tpu.memory_space<hbm>> -> memref<4x2x128xi32, #tpu.memory_space<hbm>>
        tpu.wait_dma2 semaphore(%run_scoped3A_159 : memref<!tpu.dma_semaphore, #tpu.memory_space<semaphore_mem>>) src(%dma_wait3A_191 : memref<4x2x128xi32, #tpu.memory_space<hbm>>) dst(%dma_wait3A_188 : memref<4x2x128xi32, #tpu.memory_space<vmem>>)
        tpu.yield
      }) : () -> ()
    } else {
    }
    %mul3A_105 = arith.constant 80 : i32
    %mul3A_106 = arith.muli %add3A, %mul3A_105 : i32
    %add3A_107 = arith.constant 4 : i32
    %add3A_108 = arith.addi %mul3A_106, %add3A_107 : i32
    %ge3A_109 = arith.constant 2496 : i32
    %ge3A_110 = arith.cmpi sge, %add3A_108, %ge3A_109 : i32
    %convert_element_type3A_111 = arith.extui %ge3A_110 : i1 to i32
    %cond3A_112 = arith.constant 0 : i32
    %cond3A_113 = arith.cmpi ne, %convert_element_type3A_111, %cond3A_112 : i32
    scf.if %cond3A_113 {
      %sub3A = arith.constant 2496 : i32
      %sub3A_159 = arith.subi %add3A_108, %sub3A : i32
      %dma_start3A_160 = arith.constant 1 : i32
      %dma_start3A_161 = arith.constant 0 : i32
      %dma_start3A_162 = arith.constant 0 : i32
      %dma_start3A_163 = arith.constant 0 : i32
      %dma_start3A_164 = tpu.memref_slice %arg7[%dma_start3A_160, %dma_start3A_161, %dma_start3A_162, %dma_start3A_163] : memref<2x4x2x128xi32, #tpu.memory_space<vmem>> -> memref<1x4x2x128xi32, #tpu.memory_space<vmem>>
      %dma_start3A_165 = tpu.memref_squeeze %dma_start3A_164 : memref<1x4x2x128xi32, #tpu.memory_space<vmem>> -> memref<4x2x128xi32, #tpu.memory_space<vmem>>
      %dma_start3A_166 = arith.constant 0 : i32
      %dma_start3A_167 = arith.constant 0 : i32
      %dma_start3A_168 = tpu.memref_slice %arg4[%sub3A_159, %dma_start3A_166, %dma_start3A_167] : memref<64x2x128xi32, #tpu.memory_space<hbm>> -> memref<4x2x128xi32, #tpu.memory_space<hbm>>
      %dma_start3A_169 = arith.constant 0 : i32
      %dma_start3A_170 = arith.constant 0 : i32
      %dma_start3A_171 = arith.constant 0 : i32
      %dma_start3A_172 = tpu.memref_slice %arg7[%dma_start3A_160, %dma_start3A_169, %dma_start3A_170, %dma_start3A_171] : memref<2x4x2x128xi32, #tpu.memory_space<vmem>> -> memref<1x4x2x128xi32, #tpu.memory_space<vmem>>
      %dma_start3A_173 = tpu.memref_squeeze %dma_start3A_172 : memref<1x4x2x128xi32, #tpu.memory_space<vmem>> -> memref<4x2x128xi32, #tpu.memory_space<vmem>>
      %dma_start3A_174 = arith.constant 0 : i32
      %dma_start3A_175 = arith.constant 0 : i32
      %dma_start3A_176 = tpu.memref_slice %arg4[%sub3A_159, %dma_start3A_174, %dma_start3A_175] : memref<64x2x128xi32, #tpu.memory_space<hbm>> -> memref<4x2x128xi32, #tpu.memory_space<hbm>>
      tpu.enqueue_dma source(%dma_start3A_176 : memref<4x2x128xi32, #tpu.memory_space<hbm>>) target(%dma_start3A_173 : memref<4x2x128xi32, #tpu.memory_space<vmem>>) target_semaphore(%arg16 : memref<!tpu.dma_semaphore, #tpu.memory_space<semaphore_mem>>)
    } else {
    }
    %not3A_114 = arith.constant true
    %not3A_115 = arith.xori %ge3A_110, %not3A_114 : i1
    %convert_element_type3A_116 = arith.extui %not3A_115 : i1 to i32
    %cond3A_117 = arith.constant 0 : i32
    %cond3A_118 = arith.cmpi ne, %convert_element_type3A_116, %cond3A_117 : i32
    scf.if %cond3A_118 {
      %dma_start3A_159 = arith.constant 1 : i32
      %dma_start3A_160 = arith.constant 0 : i32
      %dma_start3A_161 = arith.constant 0 : i32
      %dma_start3A_162 = arith.constant 0 : i32
      %dma_start3A_163 = tpu.memref_slice %arg7[%dma_start3A_159, %dma_start3A_160, %dma_start3A_161, %dma_start3A_162] : memref<2x4x2x128xi32, #tpu.memory_space<vmem>> -> memref<1x4x2x128xi32, #tpu.memory_space<vmem>>
      %dma_start3A_164 = tpu.memref_squeeze %dma_start3A_163 : memref<1x4x2x128xi32, #tpu.memory_space<vmem>> -> memref<4x2x128xi32, #tpu.memory_space<vmem>>
      %dma_start3A_165 = arith.constant 0 : i32
      %dma_start3A_166 = arith.constant 0 : i32
      %dma_start3A_167 = tpu.memref_slice %arg3[%add3A_108, %dma_start3A_165, %dma_start3A_166] : memref<2500x2x128xi32, #tpu.memory_space<hbm>> -> memref<4x2x128xi32, #tpu.memory_space<hbm>>
      %dma_start3A_168 = arith.constant 0 : i32
      %dma_start3A_169 = arith.constant 0 : i32
      %dma_start3A_170 = arith.constant 0 : i32
      %dma_start3A_171 = tpu.memref_slice %arg7[%dma_start3A_159, %dma_start3A_168, %dma_start3A_169, %dma_start3A_170] : memref<2x4x2x128xi32, #tpu.memory_space<vmem>> -> memref<1x4x2x128xi32, #tpu.memory_space<vmem>>
      %dma_start3A_172 = tpu.memref_squeeze %dma_start3A_171 : memref<1x4x2x128xi32, #tpu.memory_space<vmem>> -> memref<4x2x128xi32, #tpu.memory_space<vmem>>
      %dma_start3A_173 = arith.constant 0 : i32
      %dma_start3A_174 = arith.constant 0 : i32
      %dma_start3A_175 = tpu.memref_slice %arg3[%add3A_108, %dma_start3A_173, %dma_start3A_174] : memref<2500x2x128xi32, #tpu.memory_space<hbm>> -> memref<4x2x128xi32, #tpu.memory_space<hbm>>
      tpu.enqueue_dma source(%dma_start3A_175 : memref<4x2x128xi32, #tpu.memory_space<hbm>>) target(%dma_start3A_172 : memref<4x2x128xi32, #tpu.memory_space<vmem>>) target_semaphore(%arg16 : memref<!tpu.dma_semaphore, #tpu.memory_space<semaphore_mem>>)
    } else {
    }
    %dma_start3A_119 = arith.constant 0 : i32
    %dma_start3A_120 = arith.constant 0 : i32
    %dma_start3A_121 = arith.constant 1 : i32
    %dma_start3A_122 = arith.constant 0 : i32
    %dma_start3A_123 = tpu.memref_slice %arg7[%dma_start3A_119, %dma_start3A_120, %dma_start3A_121, %dma_start3A_122] : memref<2x4x2x128xi32, #tpu.memory_space<vmem>> -> memref<1x1x1x128xi32, #tpu.memory_space<vmem>>
    %dma_start3A_124 = tpu.memref_squeeze %dma_start3A_123 : memref<1x1x1x128xi32, #tpu.memory_space<vmem>> -> memref<128xi32, #tpu.memory_space<vmem>>
    %dma_start3A_125 = arith.constant 0 : i32
    %dma_start3A_126 = arith.constant 0 : i32
    %dma_start3A_127 = tpu.memref_slice %arg2[%dma_start3A_125, %dma_start3A_126] : memref<10000x128xf32, #tpu.memory_space<hbm>> -> memref<10000x128xf32, #tpu.memory_space<hbm>>
    tpu.enqueue_indirect_dma source(%dma_start3A_127 : memref<10000x128xf32, #tpu.memory_space<hbm>>) target(%arg8 : memref<128x128xf32, #tpu.memory_space<vmem>>) offsets(%dma_start3A_124 : memref<128xi32, #tpu.memory_space<vmem>>) semaphore(%arg12 : memref<!tpu.dma_semaphore, #tpu.memory_space<semaphore_mem>>)
    %dma_start3A_128 = arith.constant 0 : i32
    %dma_start3A_129 = arith.constant 1 : i32
    %dma_start3A_130 = arith.constant 1 : i32
    %dma_start3A_131 = arith.constant 0 : i32
    %dma_start3A_132 = tpu.memref_slice %arg7[%dma_start3A_128, %dma_start3A_129, %dma_start3A_130, %dma_start3A_131] : memref<2x4x2x128xi32, #tpu.memory_space<vmem>> -> memref<1x1x1x128xi32, #tpu.memory_space<vmem>>
    %dma_start3A_133 = tpu.memref_squeeze %dma_start3A_132 : memref<1x1x1x128xi32, #tpu.memory_space<vmem>> -> memref<128xi32, #tpu.memory_space<vmem>>
    %dma_start3A_134 = arith.constant 0 : i32
    %dma_start3A_135 = arith.constant 0 : i32
    %dma_start3A_136 = tpu.memref_slice %arg2[%dma_start3A_134, %dma_start3A_135] : memref<10000x128xf32, #tpu.memory_space<hbm>> -> memref<10000x128xf32, #tpu.memory_space<hbm>>
    tpu.enqueue_indirect_dma source(%dma_start3A_136 : memref<10000x128xf32, #tpu.memory_space<hbm>>) target(%arg9 : memref<128x128xf32, #tpu.memory_space<vmem>>) offsets(%dma_start3A_133 : memref<128xi32, #tpu.memory_space<vmem>>) semaphore(%arg13 : memref<!tpu.dma_semaphore, #tpu.memory_space<semaphore_mem>>)
    %scan3A_137 = arith.constant 0 : i32
    %scan3A_138 = arith.constant 0 : i32
    %scan3A_139 = arith.constant 40 : i32
    %scan3A_140 = arith.addi %scan3A_138, %scan3A_139 : i32
    %scan3A_141 = arith.constant 1 : i32
    %scan3A_142 = scf.for %scan3A_159 = %scan3A_138 to %scan3A_140 step %scan3A_141 iter_args(%scan3A_160 = %scan3A_137) -> (i32)  : i32 {
      %jit3A = arith.constant 2 : i32
      %div3A = arith.divsi %scan3A_159, %jit3A : i32
      %sign3A = arith.constant 0 : i32
      %sign3A_161 = arith.cmpi sgt, %scan3A_159, %sign3A : i32
      %sign3A_162 = arith.extui %sign3A_161 : i1 to i32
      %sign3A_163 = arith.constant 0 : i32
      %sign3A_164 = arith.cmpi slt, %scan3A_159, %sign3A_163 : i32
      %sign3A_165 = arith.extui %sign3A_164 : i1 to i32
      %sign3A_166 = arith.subi %sign3A_162, %sign3A_165 : i32
      %sign3A_167 = arith.constant 0 : i32
      %sign3A_168 = arith.cmpi sgt, %jit3A, %sign3A_167 : i32
      %sign3A_169 = arith.extui %sign3A_168 : i1 to i32
      %sign3A_170 = arith.constant 0 : i32
      %sign3A_171 = arith.cmpi slt, %jit3A, %sign3A_170 : i32
      %sign3A_172 = arith.extui %sign3A_171 : i1 to i32
      %sign3A_173 = arith.subi %sign3A_169, %sign3A_172 : i32
      %ne3A = arith.cmpi ne, %sign3A_166, %sign3A_173 : i32
      %rem3A = arith.remsi %scan3A_159, %jit3A : i32
      %ne3A_174 = arith.constant 0 : i32
      %ne3A_175 = arith.cmpi ne, %rem3A, %ne3A_174 : i32
      %and3A = arith.andi %ne3A, %ne3A_175 : i1
      %sub3A = arith.constant 1 : i32
      %sub3A_176 = arith.subi %div3A, %sub3A : i32
      %select_n3A = arith.select %and3A, %sub3A_176, %div3A : i32
      %jit3A_177 = arith.constant 2 : i32
      %eq3A = arith.constant 0 : i32
      %eq3A_178 = arith.cmpi eq, %jit3A_177, %eq3A : i32
      %jit3A_179 = arith.constant 1 : i32
      %select_n3A_180 = arith.select %eq3A_178, %jit3A_179, %jit3A_177 : i32
      %rem3A_181 = arith.remsi %scan3A_159, %select_n3A_180 : i32
      %ne3A_182 = arith.constant 0 : i32
      %ne3A_183 = arith.cmpi ne, %rem3A_181, %ne3A_182 : i32
      %lt3A = arith.constant 0 : i32
      %lt3A_184 = arith.cmpi slt, %rem3A_181, %lt3A : i32
      %lt3A_185 = arith.constant 0 : i32
      %lt3A_186 = arith.cmpi slt, %select_n3A_180, %lt3A_185 : i32
      %ne3A_187 = arith.xori %lt3A_184, %lt3A_186 : i1
      %and3A_188 = arith.andi %ne3A_187, %ne3A_183 : i1
      %add3A_189 = arith.addi %rem3A_181, %select_n3A_180 : i32
      %select_n3A_190 = arith.select %and3A_188, %add3A_189, %rem3A_181 : i32
      %jit3A_191 = arith.constant 2 : i32
      %eq3A_192 = arith.constant 0 : i32
      %eq3A_193 = arith.cmpi eq, %jit3A_191, %eq3A_192 : i32
      %jit3A_194 = arith.constant 1 : i32
      %select_n3A_195 = arith.select %eq3A_193, %jit3A_194, %jit3A_191 : i32
      %rem3A_196 = arith.remsi %select_n3A, %select_n3A_195 : i32
      %ne3A_197 = arith.constant 0 : i32
      %ne3A_198 = arith.cmpi ne, %rem3A_196, %ne3A_197 : i32
      %lt3A_199 = arith.constant 0 : i32
      %lt3A_200 = arith.cmpi slt, %rem3A_196, %lt3A_199 : i32
      %lt3A_201 = arith.constant 0 : i32
      %lt3A_202 = arith.cmpi slt, %select_n3A_195, %lt3A_201 : i32
      %ne3A_203 = arith.xori %lt3A_200, %lt3A_202 : i1
      %and3A_204 = arith.andi %ne3A_203, %ne3A_198 : i1
      %add3A_205 = arith.addi %rem3A_196, %select_n3A_195 : i32
      %select_n3A_206 = arith.select %and3A_204, %add3A_205, %rem3A_196 : i32
      %mul3A_207 = arith.constant 2 : i32
      %mul3A_208 = arith.muli %mul3A_207, %select_n3A_190 : i32
      %dma_wait3A_209 = arith.constant 1 : i32
      %dma_wait3A_210 = arith.constant 0 : i32
      %dma_wait3A_211 = tpu.memref_slice %arg7[%select_n3A_206, %mul3A_208, %dma_wait3A_209, %dma_wait3A_210] : memref<2x4x2x128xi32, #tpu.memory_space<vmem>> -> memref<1x1x1x128xi32, #tpu.memory_space<vmem>>
      %dma_wait3A_212 = tpu.memref_squeeze %dma_wait3A_211 : memref<1x1x1x128xi32, #tpu.memory_space<vmem>> -> memref<128xi32, #tpu.memory_space<vmem>>
      %dma_wait3A_213 = arith.constant 0 : i32
      %dma_wait3A_214 = arith.constant 0 : i32
      %dma_wait3A_215 = tpu.memref_slice %arg2[%dma_wait3A_213, %dma_wait3A_214] : memref<10000x128xf32, #tpu.memory_space<hbm>> -> memref<10000x128xf32, #tpu.memory_space<hbm>>
      tpu.wait_indirect_dma semaphore(%arg12 : memref<!tpu.dma_semaphore, #tpu.memory_space<semaphore_mem>>) src(%dma_wait3A_215 : memref<10000x128xf32, #tpu.memory_space<hbm>>) dst(%arg8 : memref<128x128xf32, #tpu.memory_space<vmem>>)
      %dma_start3A_216 = arith.constant 0 : i32
      %dma_start3A_217 = arith.constant 0 : i32
      %dma_start3A_218 = tpu.memref_slice %arg7[%select_n3A_206, %mul3A_208, %dma_start3A_216, %dma_start3A_217] : memref<2x4x2x128xi32, #tpu.memory_space<vmem>> -> memref<1x1x1x128xi32, #tpu.memory_space<vmem>>
      %dma_start3A_219 = tpu.memref_squeeze %dma_start3A_218 : memref<1x1x1x128xi32, #tpu.memory_space<vmem>> -> memref<128xi32, #tpu.memory_space<vmem>>
      %dma_start3A_220 = arith.constant 0 : i32
      %dma_start3A_221 = arith.constant 0 : i32
      %dma_start3A_222 = tpu.memref_slice %arg11[%dma_start3A_220, %dma_start3A_221] : memref<10240x128xf32, #tpu.memory_space<vmem_shared>> -> memref<10240x128xf32, #tpu.memory_space<vmem_shared>>
      tpu.enqueue_indirect_dma source(%arg8 : memref<128x128xf32, #tpu.memory_space<vmem>>) target(%dma_start3A_222 : memref<10240x128xf32, #tpu.memory_space<vmem_shared>>) offsets(%dma_start3A_219 : memref<128xi32, #tpu.memory_space<vmem>>) semaphore(%arg14 : memref<!tpu.dma_semaphore, #tpu.memory_space<semaphore_mem>>) {add = true}
      %get3A = arith.constant 0 : i32
      %get3A_223 = arith.index_cast %select_n3A_206 : i32 to index
      %get3A_224 = arith.index_cast %mul3A_208 : i32 to index
      %get3A_225 = arith.index_cast %get3A : i32 to index
      %get3A_226 = arith.constant 0 : index
      %get3A_227 = tpu.vector_load %arg7[%get3A_223, %get3A_224, %get3A_225, %get3A_226] {strides = array<i32>} : memref<2x4x2x128xi32, #tpu.memory_space<vmem>>, vector<16xi32>,
      tpu.vector_store_idx %arg10[%get3A_227], %broadcast_in_dim3A_3 {add = true} : memref<10240xf32, #tpu.memory_space<vmem>>[vector<16xi32>], vector<16xf32>,
      %get3A_228 = arith.constant 0 : i32
      %get3A_229 = arith.index_cast %select_n3A_206 : i32 to index
      %get3A_230 = arith.index_cast %mul3A_208 : i32 to index
      %get3A_231 = arith.index_cast %get3A_228 : i32 to index
      %get3A_232 = arith.constant 16 : index
      %get3A_233 = tpu.vector_load %arg7[%get3A_229, %get3A_230, %get3A_231, %get3A_232] {strides = array<i32>} : memref<2x4x2x128xi32, #tpu.memory_space<vmem>>, vector<16xi32>,
      tpu.vector_store_idx %arg10[%get3A_233], %broadcast_in_dim3A_3 {add = true} : memref<10240xf32, #tpu.memory_space<vmem>>[vector<16xi32>], vector<16xf32>,
      %get3A_234 = arith.constant 0 : i32
      %get3A_235 = arith.index_cast %select_n3A_206 : i32 to index
      %get3A_236 = arith.index_cast %mul3A_208 : i32 to index
      %get3A_237 = arith.index_cast %get3A_234 : i32 to index
      %get3A_238 = arith.constant 32 : index
      %get3A_239 = tpu.vector_load %arg7[%get3A_235, %get3A_236, %get3A_237, %get3A_238] {strides = array<i32>} : memref<2x4x2x128xi32, #tpu.memory_space<vmem>>, vector<16xi32>,
      tpu.vector_store_idx %arg10[%get3A_239], %broadcast_in_dim3A_3 {add = true} : memref<10240xf32, #tpu.memory_space<vmem>>[vector<16xi32>], vector<16xf32>,
      %get3A_240 = arith.constant 0 : i32
      %get3A_241 = arith.index_cast %select_n3A_206 : i32 to index
      %get3A_242 = arith.index_cast %mul3A_208 : i32 to index
      %get3A_243 = arith.index_cast %get3A_240 : i32 to index
      %get3A_244 = arith.constant 48 : index
      %get3A_245 = tpu.vector_load %arg7[%get3A_241, %get3A_242, %get3A_243, %get3A_244] {strides = array<i32>} : memref<2x4x2x128xi32, #tpu.memory_space<vmem>>, vector<16xi32>,
      tpu.vector_store_idx %arg10[%get3A_245], %broadcast_in_dim3A_3 {add = true} : memref<10240xf32, #tpu.memory_space<vmem>>[vector<16xi32>], vector<16xf32>,
      %get3A_246 = arith.constant 0 : i32
      %get3A_247 = arith.index_cast %select_n3A_206 : i32 to index
      %get3A_248 = arith.index_cast %mul3A_208 : i32 to index
      %get3A_249 = arith.index_cast %get3A_246 : i32 to index
      %get3A_250 = arith.constant 64 : index
      %get3A_251 = tpu.vector_load %arg7[%get3A_247, %get3A_248, %get3A_249, %get3A_250] {strides = array<i32>} : memref<2x4x2x128xi32, #tpu.memory_space<vmem>>, vector<16xi32>,
      tpu.vector_store_idx %arg10[%get3A_251], %broadcast_in_dim3A_3 {add = true} : memref<10240xf32, #tpu.memory_space<vmem>>[vector<16xi32>], vector<16xf32>,
      %get3A_252 = arith.constant 0 : i32
      %get3A_253 = arith.index_cast %select_n3A_206 : i32 to index
      %get3A_254 = arith.index_cast %mul3A_208 : i32 to index
      %get3A_255 = arith.index_cast %get3A_252 : i32 to index
      %get3A_256 = arith.constant 80 : index
      %get3A_257 = tpu.vector_load %arg7[%get3A_253, %get3A_254, %get3A_255, %get3A_256] {strides = array<i32>} : memref<2x4x2x128xi32, #tpu.memory_space<vmem>>, vector<16xi32>,
      tpu.vector_store_idx %arg10[%get3A_257], %broadcast_in_dim3A_3 {add = true} : memref<10240xf32, #tpu.memory_space<vmem>>[vector<16xi32>], vector<16xf32>,
      %get3A_258 = arith.constant 0 : i32
      %get3A_259 = arith.index_cast %select_n3A_206 : i32 to index
      %get3A_260 = arith.index_cast %mul3A_208 : i32 to index
      %get3A_261 = arith.index_cast %get3A_258 : i32 to index
      %get3A_262 = arith.constant 96 : index
      %get3A_263 = tpu.vector_load %arg7[%get3A_259, %get3A_260, %get3A_261, %get3A_262] {strides = array<i32>} : memref<2x4x2x128xi32, #tpu.memory_space<vmem>>, vector<16xi32>,
      tpu.vector_store_idx %arg10[%get3A_263], %broadcast_in_dim3A_3 {add = true} : memref<10240xf32, #tpu.memory_space<vmem>>[vector<16xi32>], vector<16xf32>,
      %get3A_264 = arith.constant 0 : i32
      %get3A_265 = arith.index_cast %select_n3A_206 : i32 to index
      %get3A_266 = arith.index_cast %mul3A_208 : i32 to index
      %get3A_267 = arith.index_cast %get3A_264 : i32 to index
      %get3A_268 = arith.constant 112 : index
      %get3A_269 = tpu.vector_load %arg7[%get3A_265, %get3A_266, %get3A_267, %get3A_268] {strides = array<i32>} : memref<2x4x2x128xi32, #tpu.memory_space<vmem>>, vector<16xi32>,
      tpu.vector_store_idx %arg10[%get3A_269], %broadcast_in_dim3A_3 {add = true} : memref<10240xf32, #tpu.memory_space<vmem>>[vector<16xi32>], vector<16xf32>,
      %dma_wait3A_270 = arith.constant 0 : i32
      %dma_wait3A_271 = arith.constant 0 : i32
      %dma_wait3A_272 = tpu.memref_slice %arg7[%select_n3A_206, %mul3A_208, %dma_wait3A_270, %dma_wait3A_271] : memref<2x4x2x128xi32, #tpu.memory_space<vmem>> -> memref<1x1x1x128xi32, #tpu.memory_space<vmem>>
      %dma_wait3A_273 = tpu.memref_squeeze %dma_wait3A_272 : memref<1x1x1x128xi32, #tpu.memory_space<vmem>> -> memref<128xi32, #tpu.memory_space<vmem>>
      %dma_wait3A_274 = arith.constant 0 : i32
      %dma_wait3A_275 = arith.constant 0 : i32
      %dma_wait3A_276 = tpu.memref_slice %arg11[%dma_wait3A_274, %dma_wait3A_275] : memref<10240x128xf32, #tpu.memory_space<vmem_shared>> -> memref<10240x128xf32, #tpu.memory_space<vmem_shared>>
      tpu.wait_indirect_dma semaphore(%arg14 : memref<!tpu.dma_semaphore, #tpu.memory_space<semaphore_mem>>) src(%arg8 : memref<128x128xf32, #tpu.memory_space<vmem>>) dst(%dma_wait3A_276 : memref<10240x128xf32, #tpu.memory_space<vmem_shared>>)
      %eq3A_277 = arith.constant 0 : i32
      %eq3A_278 = arith.cmpi eq, %select_n3A_190, %eq3A_277 : i32
      %convert_element_type3A_279 = arith.extui %eq3A_278 : i1 to i32
      %cond3A_280 = arith.constant 0 : i32
      %cond3A_281 = arith.cmpi ne, %convert_element_type3A_279, %cond3A_280 : i32
      scf.if %cond3A_281 {
        %dma_start3A_383 = arith.constant 2 : i32
        %dma_start3A_384 = arith.constant 1 : i32
        %dma_start3A_385 = arith.constant 0 : i32
        %dma_start3A_386 = tpu.memref_slice %arg7[%select_n3A_206, %dma_start3A_383, %dma_start3A_384, %dma_start3A_385] : memref<2x4x2x128xi32, #tpu.memory_space<vmem>> -> memref<1x1x1x128xi32, #tpu.memory_space<vmem>>
        %dma_start3A_387 = tpu.memref_squeeze %dma_start3A_386 : memref<1x1x1x128xi32, #tpu.memory_space<vmem>> -> memref<128xi32, #tpu.memory_space<vmem>>
        %dma_start3A_388 = arith.constant 0 : i32
        %dma_start3A_389 = arith.constant 0 : i32
        %dma_start3A_390 = tpu.memref_slice %arg2[%dma_start3A_388, %dma_start3A_389] : memref<10000x128xf32, #tpu.memory_space<hbm>> -> memref<10000x128xf32, #tpu.memory_space<hbm>>
        tpu.enqueue_indirect_dma source(%dma_start3A_390 : memref<10000x128xf32, #tpu.memory_space<hbm>>) target(%arg8 : memref<128x128xf32, #tpu.memory_space<vmem>>) offsets(%dma_start3A_387 : memref<128xi32, #tpu.memory_space<vmem>>) semaphore(%arg12 : memref<!tpu.dma_semaphore, #tpu.memory_space<semaphore_mem>>)
      } else {
      }
      %eq3A_282 = arith.constant 1 : i32
      %eq3A_283 = arith.cmpi eq, %select_n3A_190, %eq3A_282 : i32
      %add3A_284 = arith.constant 1 : i32
      %add3A_285 = arith.addi %select_n3A, %add3A_284 : i32
      %lt3A_286 = arith.constant 20 : i32
      %lt3A_287 = arith.cmpi slt, %add3A_285, %lt3A_286 : i32
      %and3A_288 = arith.andi %eq3A_283, %lt3A_287 : i1
      %convert_element_type3A_289 = arith.extui %and3A_288 : i1 to i32
      %cond3A_290 = arith.constant 0 : i32
      %cond3A_291 = arith.cmpi ne, %convert_element_type3A_289, %cond3A_290 : i32
      scf.if %cond3A_291 {
        %sub3A_383 = arith.constant 1 : i32
        %sub3A_384 = arith.subi %sub3A_383, %select_n3A_206 : i32
        %dma_wait3A_385 = arith.constant 0 : i32
        %dma_wait3A_386 = arith.constant 0 : i32
        %dma_wait3A_387 = arith.constant 0 : i32
        %dma_wait3A_388 = tpu.memref_slice %arg7[%sub3A_384, %dma_wait3A_385, %dma_wait3A_386, %dma_wait3A_387] : memref<2x4x2x128xi32, #tpu.memory_space<vmem>> -> memref<1x4x2x128xi32, #tpu.memory_space<vmem>>
        %dma_wait3A_389 = tpu.memref_squeeze %dma_wait3A_388 : memref<1x4x2x128xi32, #tpu.memory_space<vmem>> -> memref<4x2x128xi32, #tpu.memory_space<vmem>>
        %dma_wait3A_390 = arith.constant 0 : i32
        %dma_wait3A_391 = arith.constant 0 : i32
        %dma_wait3A_392 = arith.constant 0 : i32
        %dma_wait3A_393 = tpu.memref_slice %arg3[%dma_wait3A_390, %dma_wait3A_391, %dma_wait3A_392] : memref<2500x2x128xi32, #tpu.memory_space<hbm>> -> memref<4x2x128xi32, #tpu.memory_space<hbm>>
        %dma_wait3A_394 = arith.constant 0 : i32
        %dma_wait3A_395 = arith.constant 0 : i32
        %dma_wait3A_396 = arith.constant 0 : i32
        %dma_wait3A_397 = tpu.memref_slice %arg7[%sub3A_384, %dma_wait3A_394, %dma_wait3A_395, %dma_wait3A_396] : memref<2x4x2x128xi32, #tpu.memory_space<vmem>> -> memref<1x4x2x128xi32, #tpu.memory_space<vmem>>
        %dma_wait3A_398 = tpu.memref_squeeze %dma_wait3A_397 : memref<1x4x2x128xi32, #tpu.memory_space<vmem>> -> memref<4x2x128xi32, #tpu.memory_space<vmem>>
        %dma_wait3A_399 = arith.constant 0 : i32
        %dma_wait3A_400 = arith.constant 0 : i32
        %dma_wait3A_401 = arith.constant 0 : i32
        %dma_wait3A_402 = tpu.memref_slice %arg3[%dma_wait3A_399, %dma_wait3A_400, %dma_wait3A_401] : memref<2500x2x128xi32, #tpu.memory_space<hbm>> -> memref<4x2x128xi32, #tpu.memory_space<hbm>>
        tpu.wait_dma2 semaphore(%arg16 : memref<!tpu.dma_semaphore, #tpu.memory_space<semaphore_mem>>) src(%dma_wait3A_402 : memref<4x2x128xi32, #tpu.memory_space<hbm>>) dst(%dma_wait3A_398 : memref<4x2x128xi32, #tpu.memory_space<vmem>>)
        %sub3A_403 = arith.constant 1 : i32
        %sub3A_404 = arith.subi %sub3A_403, %select_n3A_206 : i32
        %dma_start3A_405 = arith.constant 0 : i32
        %dma_start3A_406 = arith.constant 1 : i32
        %dma_start3A_407 = arith.constant 0 : i32
        %dma_start3A_408 = tpu.memref_slice %arg7[%sub3A_404, %dma_start3A_405, %dma_start3A_406, %dma_start3A_407] : memref<2x4x2x128xi32, #tpu.memory_space<vmem>> -> memref<1x1x1x128xi32, #tpu.memory_space<vmem>>
        %dma_start3A_409 = tpu.memref_squeeze %dma_start3A_408 : memref<1x1x1x128xi32, #tpu.memory_space<vmem>> -> memref<128xi32, #tpu.memory_space<vmem>>
        %dma_start3A_410 = arith.constant 0 : i32
        %dma_start3A_411 = arith.constant 0 : i32
        %dma_start3A_412 = tpu.memref_slice %arg2[%dma_start3A_410, %dma_start3A_411] : memref<10000x128xf32, #tpu.memory_space<hbm>> -> memref<10000x128xf32, #tpu.memory_space<hbm>>
        tpu.enqueue_indirect_dma source(%dma_start3A_412 : memref<10000x128xf32, #tpu.memory_space<hbm>>) target(%arg8 : memref<128x128xf32, #tpu.memory_space<vmem>>) offsets(%dma_start3A_409 : memref<128xi32, #tpu.memory_space<vmem>>) semaphore(%arg12 : memref<!tpu.dma_semaphore, #tpu.memory_space<semaphore_mem>>)
      } else {
      }
      %add3A_292 = arith.constant 1 : i32
      %add3A_293 = arith.addi %mul3A_208, %add3A_292 : i32
      %dma_wait3A_294 = arith.constant 1 : i32
      %dma_wait3A_295 = arith.constant 0 : i32
      %dma_wait3A_296 = tpu.memref_slice %arg7[%select_n3A_206, %add3A_293, %dma_wait3A_294, %dma_wait3A_295] : memref<2x4x2x128xi32, #tpu.memory_space<vmem>> -> memref<1x1x1x128xi32, #tpu.memory_space<vmem>>
      %dma_wait3A_297 = tpu.memref_squeeze %dma_wait3A_296 : memref<1x1x1x128xi32, #tpu.memory_space<vmem>> -> memref<128xi32, #tpu.memory_space<vmem>>
      %dma_wait3A_298 = arith.constant 0 : i32
      %dma_wait3A_299 = arith.constant 0 : i32
      %dma_wait3A_300 = tpu.memref_slice %arg2[%dma_wait3A_298, %dma_wait3A_299] : memref<10000x128xf32, #tpu.memory_space<hbm>> -> memref<10000x128xf32, #tpu.memory_space<hbm>>
      tpu.wait_indirect_dma semaphore(%arg13 : memref<!tpu.dma_semaphore, #tpu.memory_space<semaphore_mem>>) src(%dma_wait3A_300 : memref<10000x128xf32, #tpu.memory_space<hbm>>) dst(%arg9 : memref<128x128xf32, #tpu.memory_space<vmem>>)
      %add3A_301 = arith.constant 1 : i32
      %add3A_302 = arith.addi %mul3A_208, %add3A_301 : i32
      %dma_start3A_303 = arith.constant 0 : i32
      %dma_start3A_304 = arith.constant 0 : i32
      %dma_start3A_305 = tpu.memref_slice %arg7[%select_n3A_206, %add3A_302, %dma_start3A_303, %dma_start3A_304] : memref<2x4x2x128xi32, #tpu.memory_space<vmem>> -> memref<1x1x1x128xi32, #tpu.memory_space<vmem>>
      %dma_start3A_306 = tpu.memref_squeeze %dma_start3A_305 : memref<1x1x1x128xi32, #tpu.memory_space<vmem>> -> memref<128xi32, #tpu.memory_space<vmem>>
      %dma_start3A_307 = arith.constant 0 : i32
      %dma_start3A_308 = arith.constant 0 : i32
      %dma_start3A_309 = tpu.memref_slice %arg11[%dma_start3A_307, %dma_start3A_308] : memref<10240x128xf32, #tpu.memory_space<vmem_shared>> -> memref<10240x128xf32, #tpu.memory_space<vmem_shared>>
      tpu.enqueue_indirect_dma source(%arg9 : memref<128x128xf32, #tpu.memory_space<vmem>>) target(%dma_start3A_309 : memref<10240x128xf32, #tpu.memory_space<vmem_shared>>) offsets(%dma_start3A_306 : memref<128xi32, #tpu.memory_space<vmem>>) semaphore(%arg15 : memref<!tpu.dma_semaphore, #tpu.memory_space<semaphore_mem>>) {add = true}
      %add3A_310 = arith.constant 1 : i32
      %add3A_311 = arith.addi %mul3A_208, %add3A_310 : i32
      %get3A_312 = arith.constant 0 : i32
      %get3A_313 = arith.index_cast %select_n3A_206 : i32 to index
      %get3A_314 = arith.index_cast %add3A_311 : i32 to index
      %get3A_315 = arith.index_cast %get3A_312 : i32 to index
      %get3A_316 = arith.constant 0 : index
      %get3A_317 = tpu.vector_load %arg7[%get3A_313, %get3A_314, %get3A_315, %get3A_316] {strides = array<i32>} : memref<2x4x2x128xi32, #tpu.memory_space<vmem>>, vector<16xi32>,
      tpu.vector_store_idx %arg10[%get3A_317], %broadcast_in_dim3A_3 {add = true} : memref<10240xf32, #tpu.memory_space<vmem>>[vector<16xi32>], vector<16xf32>,
      %get3A_318 = arith.constant 0 : i32
      %get3A_319 = arith.index_cast %select_n3A_206 : i32 to index
      %get3A_320 = arith.index_cast %add3A_311 : i32 to index
      %get3A_321 = arith.index_cast %get3A_318 : i32 to index
      %get3A_322 = arith.constant 16 : index
      %get3A_323 = tpu.vector_load %arg7[%get3A_319, %get3A_320, %get3A_321, %get3A_322] {strides = array<i32>} : memref<2x4x2x128xi32, #tpu.memory_space<vmem>>, vector<16xi32>,
      tpu.vector_store_idx %arg10[%get3A_323], %broadcast_in_dim3A_3 {add = true} : memref<10240xf32, #tpu.memory_space<vmem>>[vector<16xi32>], vector<16xf32>,
      %get3A_324 = arith.constant 0 : i32
      %get3A_325 = arith.index_cast %select_n3A_206 : i32 to index
      %get3A_326 = arith.index_cast %add3A_311 : i32 to index
      %get3A_327 = arith.index_cast %get3A_324 : i32 to index
      %get3A_328 = arith.constant 32 : index
      %get3A_329 = tpu.vector_load %arg7[%get3A_325, %get3A_326, %get3A_327, %get3A_328] {strides = array<i32>} : memref<2x4x2x128xi32, #tpu.memory_space<vmem>>, vector<16xi32>,
      tpu.vector_store_idx %arg10[%get3A_329], %broadcast_in_dim3A_3 {add = true} : memref<10240xf32, #tpu.memory_space<vmem>>[vector<16xi32>], vector<16xf32>,
      %get3A_330 = arith.constant 0 : i32
      %get3A_331 = arith.index_cast %select_n3A_206 : i32 to index
      %get3A_332 = arith.index_cast %add3A_311 : i32 to index
      %get3A_333 = arith.index_cast %get3A_330 : i32 to index
      %get3A_334 = arith.constant 48 : index
      %get3A_335 = tpu.vector_load %arg7[%get3A_331, %get3A_332, %get3A_333, %get3A_334] {strides = array<i32>} : memref<2x4x2x128xi32, #tpu.memory_space<vmem>>, vector<16xi32>,
      tpu.vector_store_idx %arg10[%get3A_335], %broadcast_in_dim3A_3 {add = true} : memref<10240xf32, #tpu.memory_space<vmem>>[vector<16xi32>], vector<16xf32>,
      %get3A_336 = arith.constant 0 : i32
      %get3A_337 = arith.index_cast %select_n3A_206 : i32 to index
      %get3A_338 = arith.index_cast %add3A_311 : i32 to index
      %get3A_339 = arith.index_cast %get3A_336 : i32 to index
      %get3A_340 = arith.constant 64 : index
      %get3A_341 = tpu.vector_load %arg7[%get3A_337, %get3A_338, %get3A_339, %get3A_340] {strides = array<i32>} : memref<2x4x2x128xi32, #tpu.memory_space<vmem>>, vector<16xi32>,
      tpu.vector_store_idx %arg10[%get3A_341], %broadcast_in_dim3A_3 {add = true} : memref<10240xf32, #tpu.memory_space<vmem>>[vector<16xi32>], vector<16xf32>,
      %get3A_342 = arith.constant 0 : i32
      %get3A_343 = arith.index_cast %select_n3A_206 : i32 to index
      %get3A_344 = arith.index_cast %add3A_311 : i32 to index
      %get3A_345 = arith.index_cast %get3A_342 : i32 to index
      %get3A_346 = arith.constant 80 : index
      %get3A_347 = tpu.vector_load %arg7[%get3A_343, %get3A_344, %get3A_345, %get3A_346] {strides = array<i32>} : memref<2x4x2x128xi32, #tpu.memory_space<vmem>>, vector<16xi32>,
      tpu.vector_store_idx %arg10[%get3A_347], %broadcast_in_dim3A_3 {add = true} : memref<10240xf32, #tpu.memory_space<vmem>>[vector<16xi32>], vector<16xf32>,
      %get3A_348 = arith.constant 0 : i32
      %get3A_349 = arith.index_cast %select_n3A_206 : i32 to index
      %get3A_350 = arith.index_cast %add3A_311 : i32 to index
      %get3A_351 = arith.index_cast %get3A_348 : i32 to index
      %get3A_352 = arith.constant 96 : index
      %get3A_353 = tpu.vector_load %arg7[%get3A_349, %get3A_350, %get3A_351, %get3A_352] {strides = array<i32>} : memref<2x4x2x128xi32, #tpu.memory_space<vmem>>, vector<16xi32>,
      tpu.vector_store_idx %arg10[%get3A_353], %broadcast_in_dim3A_3 {add = true} : memref<10240xf32, #tpu.memory_space<vmem>>[vector<16xi32>], vector<16xf32>,
      %get3A_354 = arith.constant 0 : i32
      %get3A_355 = arith.index_cast %select_n3A_206 : i32 to index
      %get3A_356 = arith.index_cast %add3A_311 : i32 to index
      %get3A_357 = arith.index_cast %get3A_354 : i32 to index
      %get3A_358 = arith.constant 112 : index
      %get3A_359 = tpu.vector_load %arg7[%get3A_355, %get3A_356, %get3A_357, %get3A_358] {strides = array<i32>} : memref<2x4x2x128xi32, #tpu.memory_space<vmem>>, vector<16xi32>,
      tpu.vector_store_idx %arg10[%get3A_359], %broadcast_in_dim3A_3 {add = true} : memref<10240xf32, #tpu.memory_space<vmem>>[vector<16xi32>], vector<16xf32>,
      %dma_wait3A_360 = arith.constant 0 : i32
      %dma_wait3A_361 = arith.constant 0 : i32
      %dma_wait3A_362 = tpu.memref_slice %arg7[%select_n3A_206, %add3A_302, %dma_wait3A_360, %dma_wait3A_361] : memref<2x4x2x128xi32, #tpu.memory_space<vmem>> -> memref<1x1x1x128xi32, #tpu.memory_space<vmem>>
      %dma_wait3A_363 = tpu.memref_squeeze %dma_wait3A_362 : memref<1x1x1x128xi32, #tpu.memory_space<vmem>> -> memref<128xi32, #tpu.memory_space<vmem>>
      %dma_wait3A_364 = arith.constant 0 : i32
      %dma_wait3A_365 = arith.constant 0 : i32
      %dma_wait3A_366 = tpu.memref_slice %arg11[%dma_wait3A_364, %dma_wait3A_365] : memref<10240x128xf32, #tpu.memory_space<vmem_shared>> -> memref<10240x128xf32, #tpu.memory_space<vmem_shared>>
      tpu.wait_indirect_dma semaphore(%arg15 : memref<!tpu.dma_semaphore, #tpu.memory_space<semaphore_mem>>) src(%arg9 : memref<128x128xf32, #tpu.memory_space<vmem>>) dst(%dma_wait3A_366 : memref<10240x128xf32, #tpu.memory_space<vmem_shared>>)
      %eq3A_367 = arith.constant 0 : i32
      %eq3A_368 = arith.cmpi eq, %select_n3A_190, %eq3A_367 : i32
      %convert_element_type3A_369 = arith.extui %eq3A_368 : i1 to i32
      %cond3A_370 = arith.constant 0 : i32
      %cond3A_371 = arith.cmpi ne, %convert_element_type3A_369, %cond3A_370 : i32
      scf.if %cond3A_371 {
        %dma_start3A_383 = arith.constant 3 : i32
        %dma_start3A_384 = arith.constant 1 : i32
        %dma_start3A_385 = arith.constant 0 : i32
        %dma_start3A_386 = tpu.memref_slice %arg7[%select_n3A_206, %dma_start3A_383, %dma_start3A_384, %dma_start3A_385] : memref<2x4x2x128xi32, #tpu.memory_space<vmem>> -> memref<1x1x1x128xi32, #tpu.memory_space<vmem>>
        %dma_start3A_387 = tpu.memref_squeeze %dma_start3A_386 : memref<1x1x1x128xi32, #tpu.memory_space<vmem>> -> memref<128xi32, #tpu.memory_space<vmem>>
        %dma_start3A_388 = arith.constant 0 : i32
        %dma_start3A_389 = arith.constant 0 : i32
        %dma_start3A_390 = tpu.memref_slice %arg2[%dma_start3A_388, %dma_start3A_389] : memref<10000x128xf32, #tpu.memory_space<hbm>> -> memref<10000x128xf32, #tpu.memory_space<hbm>>
        tpu.enqueue_indirect_dma source(%dma_start3A_390 : memref<10000x128xf32, #tpu.memory_space<hbm>>) target(%arg9 : memref<128x128xf32, #tpu.memory_space<vmem>>) offsets(%dma_start3A_387 : memref<128xi32, #tpu.memory_space<vmem>>) semaphore(%arg13 : memref<!tpu.dma_semaphore, #tpu.memory_space<semaphore_mem>>)
      } else {
      }
      %eq3A_372 = arith.constant 1 : i32
      %eq3A_373 = arith.cmpi eq, %select_n3A_190, %eq3A_372 : i32
      %add3A_374 = arith.constant 1 : i32
      %add3A_375 = arith.addi %select_n3A, %add3A_374 : i32
      %lt3A_376 = arith.constant 20 : i32
      %lt3A_377 = arith.cmpi slt, %add3A_375, %lt3A_376 : i32
      %and3A_378 = arith.andi %eq3A_373, %lt3A_377 : i1
      %convert_element_type3A_379 = arith.extui %and3A_378 : i1 to i32
      %cond3A_380 = arith.constant 0 : i32
      %cond3A_381 = arith.cmpi ne, %convert_element_type3A_379, %cond3A_380 : i32
      scf.if %cond3A_381 {
        %sub3A_383 = arith.constant 1 : i32
        %sub3A_384 = arith.subi %sub3A_383, %select_n3A_206 : i32
        %dma_start3A_385 = arith.constant 1 : i32
        %dma_start3A_386 = arith.constant 1 : i32
        %dma_start3A_387 = arith.constant 0 : i32
        %dma_start3A_388 = tpu.memref_slice %arg7[%sub3A_384, %dma_start3A_385, %dma_start3A_386, %dma_start3A_387] : memref<2x4x2x128xi32, #tpu.memory_space<vmem>> -> memref<1x1x1x128xi32, #tpu.memory_space<vmem>>
        %dma_start3A_389 = tpu.memref_squeeze %dma_start3A_388 : memref<1x1x1x128xi32, #tpu.memory_space<vmem>> -> memref<128xi32, #tpu.memory_space<vmem>>
        %dma_start3A_390 = arith.constant 0 : i32
        %dma_start3A_391 = arith.constant 0 : i32
        %dma_start3A_392 = tpu.memref_slice %arg2[%dma_start3A_390, %dma_start3A_391] : memref<10000x128xf32, #tpu.memory_space<hbm>> -> memref<10000x128xf32, #tpu.memory_space<hbm>>
        tpu.enqueue_indirect_dma source(%dma_start3A_392 : memref<10000x128xf32, #tpu.memory_space<hbm>>) target(%arg9 : memref<128x128xf32, #tpu.memory_space<vmem>>) offsets(%dma_start3A_389 : memref<128xi32, #tpu.memory_space<vmem>>) semaphore(%arg13 : memref<!tpu.dma_semaphore, #tpu.memory_space<semaphore_mem>>)
        %add3A_393 = arith.constant 2 : i32
        %add3A_394 = arith.addi %select_n3A, %add3A_393 : i32
        %lt3A_395 = arith.constant 20 : i32
        %lt3A_396 = arith.cmpi slt, %add3A_394, %lt3A_395 : i32
        %convert_element_type3A_397 = arith.extui %lt3A_396 : i1 to i32
        %cond3A_398 = arith.constant 0 : i32
        %cond3A_399 = arith.cmpi ne, %convert_element_type3A_397, %cond3A_398 : i32
        scf.if %cond3A_399 {
          %add3A_400 = arith.constant 2 : i32
          %add3A_401 = arith.addi %select_n3A, %add3A_400 : i32
          %mul3A_402 = arith.constant 80 : i32
          %mul3A_403 = arith.muli %add3A, %mul3A_402 : i32
          %mul3A_404 = arith.constant 4 : i32
          %mul3A_405 = arith.muli %add3A_401, %mul3A_404 : i32
          %add3A_406 = arith.addi %mul3A_403, %mul3A_405 : i32
          %ge3A_407 = arith.constant 2496 : i32
          %ge3A_408 = arith.cmpi sge, %add3A_406, %ge3A_407 : i32
          %convert_element_type3A_409 = arith.extui %ge3A_408 : i1 to i32
          %cond3A_410 = arith.constant 0 : i32
          %cond3A_411 = arith.cmpi ne, %convert_element_type3A_409, %cond3A_410 : i32
          scf.if %cond3A_411 {
            %sub3A_417 = arith.constant 2496 : i32
            %sub3A_418 = arith.subi %add3A_406, %sub3A_417 : i32
            %dma_start3A_419 = arith.constant 0 : i32
            %dma_start3A_420 = arith.constant 0 : i32
            %dma_start3A_421 = arith.constant 0 : i32
            %dma_start3A_422 = tpu.memref_slice %arg7[%select_n3A_206, %dma_start3A_419, %dma_start3A_420, %dma_start3A_421] : memref<2x4x2x128xi32, #tpu.memory_space<vmem>> -> memref<1x4x2x128xi32, #tpu.memory_space<vmem>>
            %dma_start3A_423 = tpu.memref_squeeze %dma_start3A_422 : memref<1x4x2x128xi32, #tpu.memory_space<vmem>> -> memref<4x2x128xi32, #tpu.memory_space<vmem>>
            %dma_start3A_424 = arith.constant 0 : i32
            %dma_start3A_425 = arith.constant 0 : i32
            %dma_start3A_426 = tpu.memref_slice %arg4[%sub3A_418, %dma_start3A_424, %dma_start3A_425] : memref<64x2x128xi32, #tpu.memory_space<hbm>> -> memref<4x2x128xi32, #tpu.memory_space<hbm>>
            %dma_start3A_427 = arith.constant 0 : i32
            %dma_start3A_428 = arith.constant 0 : i32
            %dma_start3A_429 = arith.constant 0 : i32
            %dma_start3A_430 = tpu.memref_slice %arg7[%select_n3A_206, %dma_start3A_427, %dma_start3A_428, %dma_start3A_429] : memref<2x4x2x128xi32, #tpu.memory_space<vmem>> -> memref<1x4x2x128xi32, #tpu.memory_space<vmem>>
            %dma_start3A_431 = tpu.memref_squeeze %dma_start3A_430 : memref<1x4x2x128xi32, #tpu.memory_space<vmem>> -> memref<4x2x128xi32, #tpu.memory_space<vmem>>
            %dma_start3A_432 = arith.constant 0 : i32
            %dma_start3A_433 = arith.constant 0 : i32
            %dma_start3A_434 = tpu.memref_slice %arg4[%sub3A_418, %dma_start3A_432, %dma_start3A_433] : memref<64x2x128xi32, #tpu.memory_space<hbm>> -> memref<4x2x128xi32, #tpu.memory_space<hbm>>
            tpu.enqueue_dma source(%dma_start3A_434 : memref<4x2x128xi32, #tpu.memory_space<hbm>>) target(%dma_start3A_431 : memref<4x2x128xi32, #tpu.memory_space<vmem>>) target_semaphore(%arg16 : memref<!tpu.dma_semaphore, #tpu.memory_space<semaphore_mem>>)
          } else {
          }
          %not3A_412 = arith.constant true
          %not3A_413 = arith.xori %ge3A_408, %not3A_412 : i1
          %convert_element_type3A_414 = arith.extui %not3A_413 : i1 to i32
          %cond3A_415 = arith.constant 0 : i32
          %cond3A_416 = arith.cmpi ne, %convert_element_type3A_414, %cond3A_415 : i32
          scf.if %cond3A_416 {
            %dma_start3A_417 = arith.constant 0 : i32
            %dma_start3A_418 = arith.constant 0 : i32
            %dma_start3A_419 = arith.constant 0 : i32
            %dma_start3A_420 = tpu.memref_slice %arg7[%select_n3A_206, %dma_start3A_417, %dma_start3A_418, %dma_start3A_419] : memref<2x4x2x128xi32, #tpu.memory_space<vmem>> -> memref<1x4x2x128xi32, #tpu.memory_space<vmem>>
            %dma_start3A_421 = tpu.memref_squeeze %dma_start3A_420 : memref<1x4x2x128xi32, #tpu.memory_space<vmem>> -> memref<4x2x128xi32, #tpu.memory_space<vmem>>
            %dma_start3A_422 = arith.constant 0 : i32
            %dma_start3A_423 = arith.constant 0 : i32
            %dma_start3A_424 = tpu.memref_slice %arg3[%add3A_406, %dma_start3A_422, %dma_start3A_423] : memref<2500x2x128xi32, #tpu.memory_space<hbm>> -> memref<4x2x128xi32, #tpu.memory_space<hbm>>
            %dma_start3A_425 = arith.constant 0 : i32
            %dma_start3A_426 = arith.constant 0 : i32
            %dma_start3A_427 = arith.constant 0 : i32
            %dma_start3A_428 = tpu.memref_slice %arg7[%select_n3A_206, %dma_start3A_425, %dma_start3A_426, %dma_start3A_427] : memref<2x4x2x128xi32, #tpu.memory_space<vmem>> -> memref<1x4x2x128xi32, #tpu.memory_space<vmem>>
            %dma_start3A_429 = tpu.memref_squeeze %dma_start3A_428 : memref<1x4x2x128xi32, #tpu.memory_space<vmem>> -> memref<4x2x128xi32, #tpu.memory_space<vmem>>
            %dma_start3A_430 = arith.constant 0 : i32
            %dma_start3A_431 = arith.constant 0 : i32
            %dma_start3A_432 = tpu.memref_slice %arg3[%add3A_406, %dma_start3A_430, %dma_start3A_431] : memref<2500x2x128xi32, #tpu.memory_space<hbm>> -> memref<4x2x128xi32, #tpu.memory_space<hbm>>
            tpu.enqueue_dma source(%dma_start3A_432 : memref<4x2x128xi32, #tpu.memory_space<hbm>>) target(%dma_start3A_429 : memref<4x2x128xi32, #tpu.memory_space<vmem>>) target_semaphore(%arg16 : memref<!tpu.dma_semaphore, #tpu.memory_space<semaphore_mem>>)
          } else {
          }
        } else {
        }
      } else {
      }
      %scan3A_382 = arith.constant 0 : i32
      scf.yield %scan3A_382 : i32
    }
    %scan3A_143 = arith.constant 40 : i32
    "tpu.trace_stop"() : () -> ()
    "tpu.trace_start"() <{level = 10 : i32, message = "barrier2"}> : () -> ()
    %barrier3A_144 = arith.constant 0 : index
    tpu.barrier barrier_id(%barrier3A_144)
    "tpu.trace_stop"() : () -> ()
    "tpu.trace_start"() <{level = 10 : i32, message = "drain"}> : () -> ()
    %mul3A_145 = arith.constant 640 : i32
    %mul3A_146 = arith.muli %arg1, %mul3A_145 : i32
    %mul3A_147 = arith.constant 640 : i32
    %mul3A_148 = arith.muli %arg1, %mul3A_147 : i32
    %dma_start3A_149 = arith.constant 0 : i32
    %dma_start3A_150 = tpu.memref_slice %arg5[%arg0, %mul3A_148, %dma_start3A_149] : memref<2x10240x128xf32, #tpu.memory_space<hbm>> -> memref<1x640x128xf32, #tpu.memory_space<hbm>>
    %dma_start3A_151 = tpu.memref_squeeze %dma_start3A_150 : memref<1x640x128xf32, #tpu.memory_space<hbm>> -> memref<640x128xf32, #tpu.memory_space<hbm>>
    %dma_start3A_152 = arith.constant 0 : i32
    %dma_start3A_153 = tpu.memref_slice %arg11[%mul3A_146, %dma_start3A_152] : memref<10240x128xf32, #tpu.memory_space<vmem_shared>> -> memref<640x128xf32, #tpu.memory_space<vmem_shared>>
    tpu.enqueue_dma source(%dma_start3A_153 : memref<640x128xf32, #tpu.memory_space<vmem_shared>>) target(%dma_start3A_151 : memref<640x128xf32, #tpu.memory_space<hbm>>) target_semaphore(%arg16 : memref<!tpu.dma_semaphore, #tpu.memory_space<semaphore_mem>>)
    "tpu.region"() ({
      %run_scoped3A = tpu.sem_alloc : memref<!tpu.dma_semaphore, #tpu.memory_space<semaphore_mem>>
      %dma_start3A_159 = arith.constant 0 : i32
      %dma_start3A_160 = tpu.memref_slice %arg6[%add3A, %dma_start3A_159] : memref<32x10240xf32, #tpu.memory_space<hbm>> -> memref<1x10240xf32, #tpu.memory_space<hbm>>
      %dma_start3A_161 = tpu.memref_squeeze %dma_start3A_160 : memref<1x10240xf32, #tpu.memory_space<hbm>> -> memref<10240xf32, #tpu.memory_space<hbm>>
      %dma_start3A_162 = arith.constant 0 : i32
      %dma_start3A_163 = tpu.memref_slice %arg6[%add3A, %dma_start3A_162] : memref<32x10240xf32, #tpu.memory_space<hbm>> -> memref<1x10240xf32, #tpu.memory_space<hbm>>
      %dma_start3A_164 = tpu.memref_squeeze %dma_start3A_163 : memref<1x10240xf32, #tpu.memory_space<hbm>> -> memref<10240xf32, #tpu.memory_space<hbm>>
      tpu.enqueue_dma source(%arg10 : memref<10240xf32, #tpu.memory_space<vmem>>) target(%dma_start3A_164 : memref<10240xf32, #tpu.memory_space<hbm>>) target_semaphore(%run_scoped3A : memref<!tpu.dma_semaphore, #tpu.memory_space<semaphore_mem>>)
      %dma_wait3A_165 = arith.constant 0 : i32
      %dma_wait3A_166 = tpu.memref_slice %arg6[%add3A, %dma_wait3A_165] : memref<32x10240xf32, #tpu.memory_space<hbm>> -> memref<1x10240xf32, #tpu.memory_space<hbm>>
      %dma_wait3A_167 = tpu.memref_squeeze %dma_wait3A_166 : memref<1x10240xf32, #tpu.memory_space<hbm>> -> memref<10240xf32, #tpu.memory_space<hbm>>
      %dma_wait3A_168 = arith.constant 0 : i32
      %dma_wait3A_169 = tpu.memref_slice %arg6[%add3A, %dma_wait3A_168] : memref<32x10240xf32, #tpu.memory_space<hbm>> -> memref<1x10240xf32, #tpu.memory_space<hbm>>
      %dma_wait3A_170 = tpu.memref_squeeze %dma_wait3A_169 : memref<1x10240xf32, #tpu.memory_space<hbm>> -> memref<10240xf32, #tpu.memory_space<hbm>>
      tpu.wait_dma2 semaphore(%run_scoped3A : memref<!tpu.dma_semaphore, #tpu.memory_space<semaphore_mem>>) src(%arg10 : memref<10240xf32, #tpu.memory_space<vmem>>) dst(%dma_wait3A_170 : memref<10240xf32, #tpu.memory_space<hbm>>)
      tpu.yield
    }) : () -> ()
    %dma_wait3A_154 = arith.constant 0 : i32
    %dma_wait3A_155 = tpu.memref_slice %arg5[%arg0, %mul3A_148, %dma_wait3A_154] : memref<2x10240x128xf32, #tpu.memory_space<hbm>> -> memref<1x640x128xf32, #tpu.memory_space<hbm>>
    %dma_wait3A_156 = tpu.memref_squeeze %dma_wait3A_155 : memref<1x640x128xf32, #tpu.memory_space<hbm>> -> memref<640x128xf32, #tpu.memory_space<hbm>>
    %dma_wait3A_157 = arith.constant 0 : i32
    %dma_wait3A_158 = tpu.memref_slice %arg11[%mul3A_146, %dma_wait3A_157] : memref<10240x128xf32, #tpu.memory_space<vmem_shared>> -> memref<640x128xf32, #tpu.memory_space<vmem_shared>>
    tpu.wait_dma2 semaphore(%arg16 : memref<!tpu.dma_semaphore, #tpu.memory_space<semaphore_mem>>) src(%dma_wait3A_158 : memref<640x128xf32, #tpu.memory_space<vmem_shared>>) dst(%dma_wait3A_156 : memref<640x128xf32, #tpu.memory_space<hbm>>)
    "tpu.trace_stop"() : () -> ()
    return
  }
}

module attributes {stable_mosaic.version = 14 : i64} {
  func.func @_tc_finish_body(%arg0: i32, %arg1: memref<1024x128xf32, #tpu.memory_space<vmem>>, %arg2: memref<2x1024x128xf32, #tpu.memory_space<vmem>>, %arg3: memref<32x1024xf32, #tpu.memory_space<vmem>>, %arg4: memref<128x128xf32, #tpu.memory_space<vmem>>, %arg5: memref<1x128xf32, #tpu.memory_space<vmem>>, %arg6: memref<1024x128xf32, #tpu.memory_space<vmem>>) attributes {dimension_semantics = [#tpu.dimension_semantics<arbitrary>], iteration_bounds = array<i64: 10>, scalar_prefetch = 0 : i64, scratch_operands = 0 : i64, tpu.core_type = #tpu.core_type<tc>, window_params = [{transform_indices = @transform_0, window_bounds = array<i64: 1024, 128>}, {transform_indices = @transform_1, window_bounds = array<i64: 2, 1024, 128>}, {transform_indices = @transform_2, window_bounds = array<i64: 32, 1024>}, {pipeline_mode = #tpu.pipeline_mode<synchronous>, transform_indices = @transform_3, window_bounds = array<i64: 128, 128>}, {pipeline_mode = #tpu.pipeline_mode<synchronous>, transform_indices = @transform_4, window_bounds = array<i64: 1, 128>}, {transform_indices = @transform_5, window_bounds = array<i64: 1024, 128>}]} {
    %get3A = arith.constant 0 : index
    %get3A_0 = arith.constant 0 : index
    %get3A_1 = arith.constant 0 : index
    %get3A_2 = vector.load %arg2[%get3A, %get3A_0, %get3A_1] : memref<2x1024x128xf32, #tpu.memory_space<vmem>>, vector<1x1024x128xf32>
    %get3A_3 = vector.shape_cast %get3A_2 : vector<1x1024x128xf32> to vector<1024x128xf32>
    %get3A_4 = arith.constant 1 : index
    %get3A_5 = arith.constant 0 : index
    %get3A_6 = arith.constant 0 : index
    %get3A_7 = vector.load %arg2[%get3A_4, %get3A_5, %get3A_6] : memref<2x1024x128xf32, #tpu.memory_space<vmem>>, vector<1x1024x128xf32>
    %get3A_8 = vector.shape_cast %get3A_7 : vector<1x1024x128xf32> to vector<1024x128xf32>
    %add3A = arith.addf %get3A_3, %get3A_8 : vector<1024x128xf32>
    %get3A_9 = arith.constant 0 : index
    %get3A_10 = arith.constant 0 : index
    %get3A_11 = vector.load %arg1[%get3A_9, %get3A_10] : memref<1024x128xf32, #tpu.memory_space<vmem>>, vector<1024x128xf32>
    %add3A_12 = arith.addf %add3A, %get3A_11 : vector<1024x128xf32>
    %get3A_13 = arith.constant 0 : index
    %get3A_14 = arith.constant 0 : index
    %get3A_15 = vector.load %arg4[%get3A_13, %get3A_14] : memref<128x128xf32, #tpu.memory_space<vmem>>, vector<128x128xf32>
    %dot_general3A = arith.constant dense<0.000000e+00> : vector<1024x128xf32>
    %dot_general3A_16 = tpu.matmul %add3A_12, %get3A_15, %dot_general3A {dimension_numbers = #tpu.dot_dimension_numbers<[1], [0], [0], [1], [0, 0, 1, 1], [], []>, precision = #tpu.contract_precision<fp32>, transpose_lhs_hint = false} : vector<1024x128xf32>, vector<128x128xf32>, vector<1024x128xf32> -> vector<1024x128xf32>
    %get3A_17 = arith.constant 0 : index
    %get3A_18 = arith.constant 0 : index
    %get3A_19 = vector.load %arg3[%get3A_17, %get3A_18] : memref<32x1024xf32, #tpu.memory_space<vmem>>, vector<32x1024xf32>
    %reduce_sum3A = arith.constant dense<0.000000e+00> : vector<1024xf32>
    %reduce_sum3A_20 = vector.multi_reduction <add>, %get3A_19, %reduce_sum3A [0] : vector<32x1024xf32> to vector<1024xf32>
    %add3A_21 = arith.constant 1.000000e+00 : f32
    %add3A_22 = vector.broadcast %add3A_21 : f32 to vector<1024xf32>
    %add3A_23 = arith.addf %reduce_sum3A_20, %add3A_22 : vector<1024xf32>
    %broadcast_in_dim3A = vector.shape_cast %add3A_23 : vector<1024xf32> to vector<1024x1xf32>
    %div3A = vector.broadcast %broadcast_in_dim3A : vector<1024x1xf32> to vector<1024x128xf32>
    %div3A_24 = arith.divf %dot_general3A_16, %div3A : vector<1024x128xf32>
    %get3A_25 = arith.constant 0 : index
    %get3A_26 = arith.constant 0 : index
    %get3A_27 = vector.load %arg5[%get3A_25, %get3A_26] : memref<1x128xf32, #tpu.memory_space<vmem>>, vector<1x128xf32>
    %add3A_28 = vector.broadcast %get3A_27 : vector<1x128xf32> to vector<1024x128xf32>
    %add3A_29 = arith.addf %div3A_24, %add3A_28 : vector<1024x128xf32>
    %swap3A = arith.constant 0 : index
    %swap3A_30 = arith.constant 0 : index
    %swap3A_31 = vector.load %arg6[%swap3A, %swap3A_30] : memref<1024x128xf32, #tpu.memory_space<vmem>>, vector<1024x128xf32>
    tpu.vector_store %arg6[%swap3A, %swap3A_30], %add3A_29 {strides = array<i32>} : memref<1024x128xf32, #tpu.memory_space<vmem>>, vector<1024x128xf32>,
    return
  }
  func.func @transform_0(%arg0: i32) -> (i32, i32) {
    %c0_i32 = arith.constant 0 : i32
    %c0_i32_0 = arith.constant 0 : i32
    return %arg0, %c0_i32 : i32, i32
  }
  func.func @transform_1(%arg0: i32) -> (i32, i32, i32) {
    %c0_i32 = arith.constant 0 : i32
    %c0_i32_0 = arith.constant 0 : i32
    %c0_i32_1 = arith.constant 0 : i32
    return %c0_i32, %arg0, %c0_i32_0 : i32, i32, i32
  }
  func.func @transform_2(%arg0: i32) -> (i32, i32) {
    %c0_i32 = arith.constant 0 : i32
    %c0_i32_0 = arith.constant 0 : i32
    return %c0_i32, %arg0 : i32, i32
  }
  func.func @transform_3(%arg0: i32) -> (i32, i32) {
    %c0_i32 = arith.constant 0 : i32
    %c0_i32_0 = arith.constant 0 : i32
    %c0_i32_1 = arith.constant 0 : i32
    return %c0_i32, %c0_i32_0 : i32, i32
  }
  func.func @transform_4(%arg0: i32) -> (i32, i32) {
    %c0_i32 = arith.constant 0 : i32
    %c0_i32_0 = arith.constant 0 : i32
    %c0_i32_1 = arith.constant 0 : i32
    return %c0_i32, %c0_i32_0 : i32, i32
  }
  func.func @transform_5(%arg0: i32) -> (i32, i32) {
    %c0_i32 = arith.constant 0 : i32
    %c0_i32_0 = arith.constant 0 : i32
    return %arg0, %c0_i32 : i32, i32
  }
}

</mosaic_0001>

<sc_bundles>
// kernel: kernel.4.cloned.1.call-start
scs
__scs_entry_jumppad:
0x0: {  	(pc) =	sbr.rel $0x88, $3  }
0x1: {  	(tag) =	ssettag $0x0;
	lr =	simm.s32 $0x1  }
0x2: {  	[smem:$0x3F9D] =	sst lr;
	_ =	strace $0xD0000000  }
0x3: {  	_ = 	snop  }
0x4: {  	_ = 	snop  }
0x5: {  	_ = 	snop  }
0x6: {  	_ = 	snop  }
0x7: {  	_ = 	snop  }
__scs_overlays_trampoline_lowered:
0x8: {  	[smem:$0x3FAC] =	sst s0  }
0x9: {  	[smem:$0x3FAD] =	sst s1  }
0xa: {  	[smem:$0x3FAE] =	sst s2  }
0xb: {  	[smem:$0x3FAF] =	sst s3  }
0xc: {  	[smem:$0x3FB0] =	sst s4  }
0xd: {  	[smem:$0x3FB1] =	sst s5  }
0xe: {  	[smem:$0x3FB2] =	sst s6  }
0xf: {  	[smem:$0x3FB3] =	sst s7  }
0x10: {  	[smem:$0x3FB4] =	sst s8  }
0x11: {  	[smem:$0x3FB5] =	sst s9;
	s0 =	simm.s32 @!p0 $0x0  }
0x12: {  	s1 =	sld [smem:$0x3F9B];
	s0 =	simm.s32 @p0 $0x1  }
0x13: {  	[smem:$0x3FB6] =	sst s0;
	s0 =	simm.s32 @!p1 $0x0  }
0x14: {  	s2 =	sld [smem:$0x3F9A];
	s0 =	simm.s32 @p1 $0x1  }
0x15: {  	[smem:$0x3FB7] =	sst s0;
	s0 =	simm.s32 @!p2 $0x0  }
0x16: {  	s3 =	sld [smem:$0x3FDB];
	s0 =	simm.s32 @p2 $0x1  }
0x17: {  	s4 =	simm.s32 $0x1BF5;
	[smem:$0x3FB9] =	sst s0  }
0x18: {  	s0 =	sld [smem:$0x3F9C];
	_ =	swait.ge [sflag:s4], $0x0  }
0x19: {  	s7 =	sld [smem:$0x3F9D]  }
0x1a: {  	s8 =	sadd.s32 $0xFFFFE003, lr  }
0x1b: {  	s9 =	sadd.s32 $0xFFFFFEF7, lr;
	s5 =	simm.s32 $0xFFFFFFFF;
	p2 =	slt.u32 s8, $0xFFFFF086  }
0x1c: {  	p1 =	slt.u32 s9, $0xF7A;
	s5 =	simm.s32 @!p2 $0x0  }
0x1d: {  	s5 =	simm.s32 @p1 $0x1;
	p0 =	seq.s32 s7, s2  }
0x1e: {  	s7 =	smul.u32 @!p0 $0xF7A, s2;
	p2 =	seq.s32 @!p0 s5, $0x0  }
0x1f: {  	s9 =	smul.u32 $0xF7A, s1;
	s8 =	simm.s32 @!p0 $0x1BF5;
	p2 =	por !p2, p0  }
0x20: {  	[sflag:s8] =	ssyncset.s32 @!p0 $0xFFFFF086;
	s6 =	sadd.s32 @!p0 s3, s7;
	s7 =	simm.s32 @!p0 $0x108  }
0x21: {  	s3 =	sadd.s32 s3, s9;
	s6 =	sadd.s32 @!p0 $0x88, s6;
	s7 =	simm.s32 @p2 $0x1082  }
0x22: {  	[simem:s7], [sflag:s8] =	dma.local @!p0 [hbm:s6], $0xF7A  }
0x23: {  	s9 =	sor.u32 $0xD0000000, s2;
	s6 =	simm.s32 $0x108;
	_ =	swait.ge @!p0 [sflag:s8], $0x0  }
0x24: {  	s3 =	sadd.s32 $0x88, s3;
	s6 =	simm.s32 @!p1 $0x1082;
	[sflag:s4] =	ssyncset.s32 $0xFFFFF086  }
0x25: {  	[simem:s6], [sflag:s4] =	dma.local [hbm:s3], $0xF7A  }
0x26: {  	[smem:$0x3F9D] =	sst s1;
	(tag) =	ssettag s2;
	_ =	strace s9  }
0x27: {  	s1 =	sld [smem:$0x3FAD]  }
0x28: {  	s2 =	sld [smem:$0x3FAE]  }
0x29: {  	s4 =	sld [smem:$0x3FB0]  }
0x2a: {  	p0 =	seq.s32 s5, $0x0;
	s5 =	sld [smem:$0x3FB1]  }
0x2b: {  	s6 =	sld [smem:$0x3FB2]  }
0x2c: {  	s7 =	sld [smem:$0x3FB3]  }
0x2d: {  	s3 =	simm.s32 $0x108;
	s8 =	sld [smem:$0x3FB4]  }
0x2e: {  	s3 =	simm.s32 @!p0 $0x1082;
	s9 =	sld [smem:$0x3FB5]  }
0x2f: {  	lr =	sadd.s32 s0, s3;
	s0 =	sld [smem:$0x3FAC]  }
0x30: {  	s3 =	sld [smem:$0x3FAF]  }
0x31: {  	[smem:$0x3FB8] =	sst s10  }
0x32: {  	s10 =	sld [smem:$0x3FB6];
	_ =	sdelay $0x3  }
0x33: {  	p0 =	seq.s32 s10, $0x1;
	s10 =	sld [smem:$0x3FB8];
	_ =	sdelay $0x3  }
0x34: {  	[smem:$0x3FB8] =	sst s10  }
0x35: {  	s10 =	sld [smem:$0x3FB7];
	_ =	sdelay $0x3  }
0x36: {  	p1 =	seq.s32 s10, $0x1;
	s10 =	sld [smem:$0x3FB8];
	_ =	sdelay $0x3  }
0x37: {  	[smem:$0x3FB8] =	sst s10  }
0x38: {  	s10 =	sld [smem:$0x3FB9]  }
0x39: {  	_ = 	snop;
	(pc) =	sbr.ind lr, $3  }
0x3a: {  	_ = 	snop  }
0x3b: {  	_ = 	snop  }
0x3c: {  	p2 =	seq.s32 s10, $0x1;
	s10 =	sld [smem:$0x3FB8]  }
0x3d: {  	_ =	shalt  }
0x3e: {  	_ =	shalt  }
0x3f: {  	_ =	shalt  }
0x40: {  	_ =	shalt  }
0x41: {  	_ =	shalt  }
0x42: {  	_ =	shalt  }
0x43: {  	_ =	shalt  }
0x44: {  	_ =	shalt  }
0x45: {  	_ =	shalt  }
0x46: {  	_ =	shalt  }
0x47: {  	_ =	shalt  }
0x48: {  	_ =	shalt  }
0x49: {  	_ =	shalt  }
0x4a: {  	_ =	shalt  }
0x4b: {  	_ =	shalt  }
0x4c: {  	_ =	shalt  }
0x4d: {  	_ =	shalt  }
0x4e: {  	_ =	shalt  }
0x4f: {  	_ =	shalt  }
0x50: {  	_ =	shalt  }
0x51: {  	_ =	shalt  }
0x52: {  	_ =	shalt  }
0x53: {  	_ =	shalt  }
0x54: {  	_ =	shalt  }
0x55: {  	_ =	shalt  }
0x56: {  	_ =	shalt  }
0x57: {  	_ =	shalt  }
0x58: {  	_ =	shalt  }
0x59: {  	_ =	shalt  }
0x5a: {  	_ =	shalt  }
0x5b: {  	_ =	shalt  }
0x5c: {  	_ =	shalt  }
0x5d: {  	_ =	shalt  }
0x5e: {  	_ =	shalt  }
0x5f: {  	_ =	shalt  }
0x60: {  	_ =	shalt  }
0x61: {  	_ =	shalt  }
0x62: {  	_ =	shalt  }
0x63: {  	_ =	shalt  }
0x64: {  	_ =	shalt  }
0x65: {  	_ =	shalt  }
0x66: {  	_ =	shalt  }
0x67: {  	_ =	shalt  }
0x68: {  	_ =	shalt  }
0x69: {  	_ =	shalt  }
0x6a: {  	_ =	shalt  }
0x6b: {  	_ =	shalt  }
0x6c: {  	_ =	shalt  }
0x6d: {  	_ =	shalt  }
0x6e: {  	_ =	shalt  }
0x6f: {  	_ =	shalt  }
0x70: {  	_ =	shalt  }
0x71: {  	_ =	shalt  }
0x72: {  	_ =	shalt  }
0x73: {  	_ =	shalt  }
0x74: {  	_ =	shalt  }
0x75: {  	_ =	shalt  }
0x76: {  	_ =	shalt  }
0x77: {  	_ =	shalt  }
0x78: {  	_ =	shalt  }
0x79: {  	_ =	shalt  }
0x7a: {  	_ =	shalt  }
0x7b: {  	_ =	shalt  }
0x7c: {  	_ =	shalt  }
0x7d: {  	_ =	shalt  }
0x7e: {  	_ =	shalt  }
0x7f: {  	_ =	shalt  }
0x80: {  	_ =	shalt  }
0x81: {  	_ =	shalt  }
0x82: {  	_ =	shalt  }
0x83: {  	_ =	shalt  }
0x84: {  	_ =	shalt  }
0x85: {  	_ =	shalt  }
0x86: {  	_ =	shalt  }
0x87: {  	_ =	shalt  }
.Lfunc_end0:
.L_simem_size_0:
called_computation_lowered:
.L_overlay_start_0:
0x88: {  	s2 =	sld [smem:$0x3FD9]  }
0x89: {  	s3 =	sld [smem:$0x3FFE];
	_ =	sdelay $0x1  }
0x8a: {  	s1 =	srdreg.scid  }
0x8b: {  	s0 =	sand.u32 $0x1, s1  }
0x8c: {  	s17 =	sshll.u32 s0, $0xA;
	s2 =	sadd.s32 s3, s2  }
0x8d: {  	s2 =	sadd.s32 s2, s17  }
0x8e: {  	[smem:$0x3FC4] =	sst s2  }
0x8f: {  	_ = 	snop  }
0x90: {  	s2 =	sld [smem:$0x3FC9]  }
0x91: {  	s18 =	sld [smem:$0x3FC8]  }
0x92: {  	s4 =	sld [smem:$0x3FD0];
	(tm) =	ssettm $0x1  }
0x93: {  	s5 =	sld [smem:$0x3FFB];
	_ =	sdelay $0x3  }
0x94: {  	_ =	strace s5  }
0x95: {  	s5 =	sld [smem:$0x3FFC];
	_ =	sdelay $0x3  }
0x96: {  	_ =	strace s5  }
0x97: {  	s5 =	sld [smem:$0x3FFD];
	_ =	sdelay $0x3  }
0x98: {  	_ =	strace s5  }
0x99: {  	_ =	strace $0x8FFFFFFF  }
0x9a: {  	s19 =	sld [smem:$0x3FDB];
	_ =	sdelay $0x1  }
0x9b: {  	s6 =	simm.s32 $_scs_section_size  }
0x9c: {  	s7 =	simm.s32 $_size__tile_overlayer_lowered;
	s8 =	simm.s32 $_tile_overlayer_lowered  }
0x9d: {  	s22 =	simm.s32 $0x1BFF;
	s21 =	sshll.u32 s8, $0x1;
	s5 =	sadd.s32 s6, s19  }
0x9e: {  	s9 =	simm.s32 $0x0;
	s20 =	sshll.u32 s7, $0x1;
	s7 =	sadd.s32 s21, s5  }
0x9f: {  	[timem:s9], [sflag:s22] =	dma.local [hbm:s7], s20  }
0xa0: {  	_ =	swait.ge [sflag:s22], s20  }
0xa1: {  	s6 =	ssub.s32 $0x0, s20;
	[sflag:s22] =	ssyncset.done $0x0  }
0xa2: {  	[sflag:s22] =	ssyncadd.s32 s6;
	_ =	sdelay $0x1  }
0xa3: {  	s23 =	simm.s32 $0x1B8B  }
0xa4: {  	_ =	swait.ge [sflag:s23], $0x1  }
0xa5: {  	[sflag:s23] =	ssyncset.done $0x0  }
0xa6: {  	s25 =	simm.s32 $0x1B8E;
	s24 =	sld [smem:$0x3FFE];
	[sflag:s23] =	ssyncadd.s32 $0xFFFFFFFF  }
0xa7: {  	s26 =	simm.s32 $execute0_lowered;
	[smem:$0x3FD2] =	sst s25  }
0xa8: {  	s7 =	sshll.u32 s26, $0x1;
	_ =	strace $0x80000046;
	[dreg:$0x1] =	wrdreg $0xFFFFFFFF  }
0xa9: {  	s28 =	simm.s32 $_size_execute0_lowered;
	s5 =	sadd.s32 s5, s7;
	[dreg:$0x0] =	wrdreg $0x0  }
0xaa: {  	s7 =	sshll.u32 s28, $0x1;
	[dreg:$0x2] =	wrdreg s5  }
0xab: {  	[dreg:$0x3] =	wrdreg s7  }
0xac: {  	[dreg:$0x4] =	wrdreg $0xC0  }
0xad: {  	_ =	task [dreg:s9], $0x5FFFF  }
0xae: {  	[dreg:$0x1] =	wrdreg $0xFFFFFFFF  }
0xaf: {  	[dreg:$0x0] =	wrdreg $0x60  }
0xb0: {  	[dreg:$0x2] =	wrdreg s2  }
0xb1: {  	[dreg:$0x3] =	wrdreg s18  }
0xb2: {  	[dreg:$0x4] =	wrdreg s24  }
0xb3: {  	[dreg:$0x5] =	wrdreg s4  }
0xb4: {  	[dreg:$0x6] =	wrdreg $0xB0000  }
0xb5: {  	[dreg:$0x7] =	wrdreg $0x9  }
0xb6: {  	_ =	task.clear_ibuf [dreg:s9], $0x8FFFF;
	_ =	strace $0x90000046  }
0xb7: {  	s29 =	simm.s32 $0x9;
	_ =	strace $0x8000004F  }
0xb8: {  	_ =	swait.ge [sflag:s29], $0x1  }
0xb9: {  	[sflag:s29] =	ssyncadd.s32 $0xFFFFFFFF  }
0xba: {  	_ =	strace $0x9000004F  }
0xbb: {  	_ =	sfence  }
0xbc: {  	s30 =	sld [smem:$0x0];
	_ =	sdelay $0x2  }
0xbd: {  	s31 =	sshll.u32 s1, $0xD;
	s1 =	sshrl.u32 s1, $0x2  }
0xbe: {  	s3 =	sand.u32 $0x4000, s31;
	s1 =	sadd.s32 s1, s30  }
0xbf: {  	s0 =	sor.u32 s3, s0;
	s1 =	sshll.u32 s1, $0x11  }
0xc0: {  	s0 =	sor.u32 s1, s0  }
0xc1: {  	s0 =	sadd.s32 $0x8F2B, s0  }
0xc2: {  	[sflag:s0] =	ssyncadd.remote.s32 $0x1  }
0xc3: {  	_ =	sfence.sel $0xFFFF  }
0xc4: {  	[dreg:$0x0] =	wrdreg $0xFFFFFFFF;
	(pc) =	sbr.abs _section_cstart, $3  }
0xc5: {  	[dreg:$0x1] =	wrdreg $0xFFFFFFFF  }
0xc6: {  	_ =	task.clear_ibuf [dreg:s9], $0x2FFFF;
	_ =	strace $0x9FFFFFFF  }
0xc7: {  	(tm) =	ssettm $0x7FFFFFFF  }
tec
execute0_lowered:
.L_overlay_start_1:
0x0: {  	(tag) =	ssettag $0x1  }
0x1: {  	s0 =	rddreg [dreg:$0x0]  }
0x2: {  	s1 =	rddreg [dreg:$0x1]  }
0x3: {  	s6 =	rddreg [dreg:$0x2]  }
0x4: {  	s14 =	rddreg [dreg:$0x3];
	s2 =	srdreg.scid  }
0x5: {  	s4 =	rddreg [dreg:$0x4];
	s22 =	stileid.u32  }
0x6: {  	s5 =	simm.s32 $0x0;
	s19 =	simm.s32 $0x400;
	s20 =	simm.s32 $0x80  }
0x7: {  	s28 =	simm.s32 $0x4;
	s7 =	sand.u32 $0x1, s2;
	s9 =	smul.u32 $0x14000, s22  }
0x8: {  	[smem:$0x7FF] =	sst s5;
	s10 =	sadd.s32 $0x1400, s6;
	s23 =	smul.u32 $0x50000, s22  }
0x9: {  	s17 =	sshll.u32 s22, $0x7;
	s8 =	smul.u32 $0x140000, s7;
	_ =	strace $0x80000047  }
0xa: {  	[dreg:$0x7] =	wrdreg s10;
	s24 =	ssub.s32 $0x2, s7;
	s7 =	sshll.u32 s7, $0x4  }
0xb: {  	s17 =	sand.u32 $0x380, s17;
	s25 =	sshrl.u32 s24, $0x1;
	s26 =	sor.u32 s22, s7  }
0xc: {  	s29 =	sshrl.u32 s23, $0x2;
	s22 =	simm.s32 $0x4800;
	s23 =	simm.s32 $0x1  }
0xd: {  	s8 =	sadd.s32 s9, s8;
	s15 =	ssub.s32 s24, s25;
	s12 =	smul.u32 $0x50, s26  }
0xe: {  	s11 =	smul.u32 $0xA00, s26;
	s30 =	sshrl.u32 s26, $0x3;
	s24 =	simm.s32 $0x8800  }
0xf: {  	s25 =	simm.s32 $0x3;
	s26 =	simm.s32 $0x2;
	s8 =	sshrl.u32 s8, $0x3  }
0x10: {  	s16 =	smul.u32 $0x14000, s30;
	s15 =	smax.u32 s15, $0x1;
	s13 =	sadd.s32 s8, s6  }
0x11: {  	s6 =	sadd.s32 s29, s4;
	s11 =	sadd.s32 s1, s11;
	s18 =	sor.u32 $0x8, s12  }
0x12: {  	s3 =	sadd.s32 $0x4000, s6;
	s31 =	sadd.s32 $0x8000, s6;
	s9 =	sadd.s32 $0xC000, s6  }
0x13: {  	s10 =	sadd.s32 $0x10000, s6;
	s16 =	sor.u32 s17, s16;
	s12 =	sadd.s32 $0x80, s11  }
0x14: {  	[dreg:$0x6] =	wrdreg s18;
	s13 =	sadd.s32 $0x1C00, s13;
	s17 =	simm.s32 $0x5  }
0x15: {  	s18 =	simm.s32 $0x6;
	[dreg:$0x8] =	wrdreg s3;
	s16 =	sshrl.u32 s16, $0x3  }
0x16: {  	v0 =	vimm.f32 $0.0e+00;
	v1 =	vimm.f32 $1.000000000e+00;
	[dreg:$0x9] =	wrdreg s31;
	s14 =	sadd.s32 s14, s16;
	s16 =	simm.s32 $0x800  }
.LBB2_1:
0x17: {  	_ =	strace $0x80000048;
	s29 =	simm.s32 $0x0;
	s30 =	simm.s32 $0x200  }
.LBB2_2:
0x18: {  	p0 =	sne.s32 s30, $0xFE00;
	[tilespmem:s29+$0x870] =	vst v0  }
0x19: {  	[tilespmem:s29+$0x800] =	vst v0  }
0x1a: {  	[tilespmem:s29+$0x810] =	vst v0  }
.Ltmp0:
0x1b: {  	[tilespmem:s29+$0x820] =	vst v0;
	(pc) =	sbr.rel @p0 .LBB2_2-.Ltmp0, $4  }
0x1c: {  	[tilespmem:s29+$0x830] =	vst v0  }
0x1d: {  	[tilespmem:s29+$0x840] =	vst v0  }
0x1e: {  	[tilespmem:s29+$0x850] =	vst v0  }
0x1f: {  	[tilespmem:s29+$0x860] =	vst v0;
	s29 =	sshra.s32 s30, $0x2;
	s30 =	sadd.s32 $0x200, s30  }
0x20: {  	[tilespmem:s29+$0x870] =	vst v0  }
0x21: {  	[tilespmem:s29+$0x800] =	vst v0  }
0x22: {  	[tilespmem:s29+$0x810] =	vst v0  }
0x23: {  	[tilespmem:s29+$0x820] =	vst v0  }
0x24: {  	[tilespmem:s29+$0x830] =	vst v0  }
0x25: {  	[tilespmem:s29+$0x840] =	vst v0  }
0x26: {  	[tilespmem:s29+$0x850] =	vst v0  }
0x27: {  	[tilespmem:s29+$0x860] =	vst v0  }
0x28: {  	_ =	strace $0x90000048  }
0x29: {  	s30 =	simm.s32 $0x100;
	s29 =	simm.s32 $0x0;
	_ =	strace $0x80000049  }
.LBB2_4:
0x2a: {  	p0 =	sne.s32 s30, $0x9F00;
	[tilespmem:s29+$0x8830] =	vst v0;
	s31 =	smov.u32 s30;
	s30 =	sadd.s32 $0x100, s30  }
.Ltmp1:
0x2b: {  	[tilespmem:s29+$0x8820] =	vst v0;
	(pc) =	sbr.rel @p0 .LBB2_4-.Ltmp1, $3  }
0x2c: {  	[tilespmem:s29+$0x8800] =	vst v0  }
0x2d: {  	[tilespmem:s29+$0x8810] =	vst v0;
	_ =	sdelay $0x1  }
0x2e: {  	s29 =	sshra.s32 s31, $0x2  }
0x2f: {  	[tilespmem:s29+$0x8830] =	vst v0  }
0x30: {  	[tilespmem:s29+$0x8820] =	vst v0  }
0x31: {  	[tilespmem:s29+$0x8800] =	vst v0  }
0x32: {  	[tilespmem:s29+$0x8810] =	vst v0  }
0x33: {  	_ =	strace $0x90000049  }
0x34: {  	_ =	strace $0x8000004A  }
0x35: {  	[spmem:s6] =	stream.linear.scatter [tilespmem:s16], [sflag:$0x5], $0x4000, $0x200038;
	[tilespmem:$0x1F000] =	vst v63  }
0x36: {  	s2 =	rddreg [dreg:$0x8]  }
0x37: {  	[spmem:s2] =	stream.linear.scatter [tilespmem:s16], [sflag:$0x5], $0x4000, $0x200038;
	[tilespmem:$0x1F000] =	vst v63  }
0x38: {  	s30 =	rddreg [dreg:$0x9]  }
0x39: {  	[spmem:s30] =	stream.linear.scatter [tilespmem:s16], [sflag:$0x5], $0x4000, $0x200038;
	[tilespmem:$0x1F000] =	vst v63  }
0x3a: {  	_ = 	snop  }
0x3b: {  	[spmem:s9] =	stream.linear.scatter [tilespmem:s16], [sflag:$0x5], $0x4000, $0x200038;
	[tilespmem:$0x1F000] =	vst v63  }
0x3c: {  	_ = 	snop  }
0x3d: {  	[spmem:s10] =	stream.linear.scatter [tilespmem:s16], [sflag:$0x5], $0x4000, $0x200038;
	[tilespmem:$0x1F000] =	vst v63  }
0x3e: {  	_ =	swait.ge [sflag:s17], $0x4000  }
0x3f: {  	[sflag:s17] =	ssyncset.done $0x0  }
0x40: {  	[sflag:s17] =	ssyncadd.s32 $0xFFFFC000  }
0x41: {  	_ =	swait.ge [sflag:s17], $0x4000  }
0x42: {  	[sflag:s17] =	ssyncset.done $0x0  }
0x43: {  	[sflag:s17] =	ssyncadd.s32 $0xFFFFC000  }
0x44: {  	_ =	swait.ge [sflag:s17], $0x4000  }
0x45: {  	[sflag:s17] =	ssyncset.done $0x0  }
0x46: {  	[sflag:s17] =	ssyncadd.s32 $0xFFFFC000  }
0x47: {  	_ =	swait.ge [sflag:s17], $0x4000  }
0x48: {  	[sflag:s17] =	ssyncset.done $0x0  }
0x49: {  	[sflag:s17] =	ssyncadd.s32 $0xFFFFC000  }
0x4a: {  	_ =	swait.ge [sflag:s17], $0x4000  }
0x4b: {  	[sflag:s17] =	ssyncset.done $0x0  }
0x4c: {  	[sflag:s17] =	ssyncadd.s32 $0xFFFFC000  }
0x4d: {  	_ =	strace $0x9000004A  }
0x4e: {  	_ =	strace $0x8000004B  }
0x4f: {  	[bflag:$0x0] =	sbarrier.arrive $0xFFFF  }
0x50: {  	_ =	strace $0x9000004B  }
0x51: {  	s29 =	simm.s32 $0x0;
	_ =	strace $0x8000004C  }
0x52: {  	[tilespmem:s29], [sflag:$0x6] =	stream.linear.gather [hbm4b:s11+s29], $0x400, $0x200038;
	[tilespmem:$0x1F000] =	vst v63  }
0x53: {  	_ =	swait.ge [sflag:s18], $0x400  }
0x54: {  	[sflag:s18] =	ssyncset.done $0x0  }
0x55: {  	[sflag:s18] =	ssyncadd.s32 $0xFFFFFC00  }
0x56: {  	[tilespmem:s19], [sflag:$0x5] =	stream.linear.gather [hbm4b:s12+s29], $0x400, $0x200038;
	[tilespmem:$0x1F000] =	vst v63  }
0x57: {  	_ = 	snop  }
0x58: {  	[tilespmem:s16], [sflag:$0x1] =	stream.indirect.gather [hbm4b:s0+s20], $0x80, s20, s20, $0x2000b8;
	[tilespmem:$0x1F000] =	vst v63  }
0x59: {  	s31 =	simm.s32 $0x180  }
0x5a: {  	[tilespmem:s22], [sflag:$0x2] =	stream.indirect.gather [hbm4b:s0+s20], $0x80, s31, s20, $0x2000b8;
	[tilespmem:$0x1F000] =	vst v63  }
.LBB2_6:
0x5b: {  	s31 =	sand.u32 $0x1, s29;
	_ =	swait.ge [sflag:s23], $0x4000;
	s30 =	sshll.u32 s29, $0x9  }
0x5c: {  	[sflag:s23] =	ssyncset.done $0x0;
	s30 =	sand.u32 $0x400, s30;
	s2 =	sshll.u32 s31, $0x9  }
0x5d: {  	[sflag:s23] =	ssyncadd.s32 $0xFFFFC000;
	s2 =	sor.u32 s2, s30  }
0x5e: {  	[spmem:s4] =	stream.indirect.scatter.add.f32 [tilespmem:s16], [sflag:$0x3], $0x80, s2, s20, $0x2000b8;
	[tilespmem:$0x1F000] =	vst v63  }
0x5f: {  	v2 =	vld [tilespmem:s2+$0x0];
	_ =	sdelay $0x7  }
0x60: {  	[tilespmem:v2+s24+$0x0] =	vst.idx.add.f32.msk $0xffff, v1  }
0x61: {  	v2 =	vld [tilespmem:s2+$0x10];
	_ =	sdelay $0x7  }
0x62: {  	[tilespmem:v2+s24+$0x0] =	vst.idx.add.f32.msk $0xffff, v1  }
0x63: {  	v2 =	vld [tilespmem:s2+$0x20];
	_ =	sdelay $0x7  }
0x64: {  	[tilespmem:v2+s24+$0x0] =	vst.idx.add.f32.msk $0xffff, v1  }
0x65: {  	v2 =	vld [tilespmem:s2+$0x30];
	_ =	sdelay $0x7  }
0x66: {  	[tilespmem:v2+s24+$0x0] =	vst.idx.add.f32.msk $0xffff, v1  }
0x67: {  	v2 =	vld [tilespmem:s2+$0x40];
	_ =	sdelay $0x7  }
0x68: {  	[tilespmem:v2+s24+$0x0] =	vst.idx.add.f32.msk $0xffff, v1  }
0x69: {  	v2 =	vld [tilespmem:s2+$0x50];
	_ =	sdelay $0x7  }
0x6a: {  	[tilespmem:v2+s24+$0x0] =	vst.idx.add.f32.msk $0xffff, v1  }
0x6b: {  	v2 =	vld [tilespmem:s2+$0x60];
	_ =	sdelay $0x7  }
0x6c: {  	[tilespmem:v2+s24+$0x0] =	vst.idx.add.f32.msk $0xffff, v1  }
0x6d: {  	v2 =	vld [tilespmem:s2+$0x70];
	_ =	sdelay $0x7  }
0x6e: {  	[tilespmem:v2+s24+$0x0] =	vst.idx.add.f32.msk $0xffff, v1  }
0x6f: {  	s3 =	sshrl.u32 s29, $0x1;
	p0 =	seq.s32 s31, $0x1;
	_ =	swait.ge [sflag:s25], $0x4000  }
0x70: {  	p1 =	sne.s32 s3, $0x13;
	s21 =	sadd.s32 @!p0 $0x280, s30;
	[sflag:s25] =	ssyncset.done $0x0  }
0x71: {  	s7 =	simm.s32 @!p0 $0x80;
	s8 =	simm.s32 @!p0 $0x800;
	[sflag:s25] =	ssyncadd.s32 $0xFFFFC000  }
0x72: {  	[tilespmem:s8], [sflag:$0x1] =	stream.indirect.gather @!p0 [hbm4b:s0+s7], $0x80, s21, s7, $0x2000b8;
	[tilespmem:$0x1F000] =	vst v63  }
0x73: {  	p0 =	por !p1, !p0  }
0x74: {  	p0 =	por !p0, !p0  }
0x75: {  	s7 =	simm.s32 @p0 $0x5  }
0x76: {  	_ =	swait.ge @p0 [sflag:s7], $0x400  }
0x77: {  	s8 =	simm.s32 @p0 $0x80;
	[sflag:s7] =	ssyncset.done @p0 $0x0  }
0x78: {  	s21 =	simm.s32 @p0 $0x800;
	[sflag:s7] =	ssyncadd.s32 @p0 $0xFFFFFC00;
	s7 =	ssub.s32 @p0 $0x480, s30  }
0x79: {  	[tilespmem:s21], [sflag:$0x1] =	stream.indirect.gather @p0 [hbm4b:s0+s8], $0x80, s7, s8, $0x2000b8;
	[tilespmem:$0x1F000] =	vst v63  }
0x7a: {  	_ =	swait.ge [sflag:s26], $0x4000  }
0x7b: {  	[sflag:s26] =	ssyncset.done $0x0  }
0x7c: {  	s21 =	sadd.s32 $0x100, s2;
	[sflag:s26] =	ssyncadd.s32 $0xFFFFC000  }
0x7d: {  	[spmem:s4] =	stream.indirect.scatter.add.f32 [tilespmem:s22], [sflag:$0x4], $0x80, s21, s20, $0x2000b8;
	[tilespmem:$0x1F000] =	vst v63  }
0x7e: {  	v2 =	vld [tilespmem:s2+$0x100];
	_ =	sdelay $0x7  }
0x7f: {  	[tilespmem:v2+s24+$0x0] =	vst.idx.add.f32.msk $0xffff, v1  }
0x80: {  	v2 =	vld [tilespmem:s2+$0x110];
	_ =	sdelay $0x7  }
0x81: {  	[tilespmem:v2+s24+$0x0] =	vst.idx.add.f32.msk $0xffff, v1  }
0x82: {  	v2 =	vld [tilespmem:s2+$0x120];
	_ =	sdelay $0x7  }
0x83: {  	[tilespmem:v2+s24+$0x0] =	vst.idx.add.f32.msk $0xffff, v1  }
0x84: {  	v2 =	vld [tilespmem:s2+$0x130];
	_ =	sdelay $0x7  }
0x85: {  	[tilespmem:v2+s24+$0x0] =	vst.idx.add.f32.msk $0xffff, v1  }
0x86: {  	v2 =	vld [tilespmem:s2+$0x140];
	_ =	sdelay $0x7  }
0x87: {  	[tilespmem:v2+s24+$0x0] =	vst.idx.add.f32.msk $0xffff, v1  }
0x88: {  	v2 =	vld [tilespmem:s2+$0x150];
	_ =	sdelay $0x7  }
0x89: {  	[tilespmem:v2+s24+$0x0] =	vst.idx.add.f32.msk $0xffff, v1  }
0x8a: {  	v2 =	vld [tilespmem:s2+$0x160];
	_ =	sdelay $0x7  }
0x8b: {  	[tilespmem:v2+s24+$0x0] =	vst.idx.add.f32.msk $0xffff, v1  }
0x8c: {  	v2 =	vld [tilespmem:s2+$0x170];
	_ =	sdelay $0x7  }
0x8d: {  	[tilespmem:v2+s24+$0x0] =	vst.idx.add.f32.msk $0xffff, v1  }
0x8e: {  	p1 =	sne.s32 s31, $0x0;
	_ =	swait.ge [sflag:s28], $0x4000  }
0x8f: {  	p2 =	sgt.u32 @p0 s29, $0x23;
	s7 =	simm.s32 @!p1 $0x80;
	[sflag:s28] =	ssyncset.done $0x0  }
0x90: {  	s21 =	simm.s32 @!p1 $0x4800;
	s2 =	sadd.s32 @!p1 $0x380, s30;
	[sflag:s28] =	ssyncadd.s32 $0xFFFFC000  }
0x91: {  	[tilespmem:s21], [sflag:$0x2] =	stream.indirect.gather @!p1 [hbm4b:s0+s7], $0x80, s2, s7, $0x2000b8;
	[tilespmem:$0x1F000] =	vst v63  }
0x92: {  	s2 =	ssub.s32 @p0 $0x580, s30;
	s7 =	simm.s32 @p0 $0x4800;
	p1 =	por p2, !p0  }
0x93: {  	[tilespmem:s7], [sflag:$0x2] =	stream.indirect.gather @p0 [hbm4b:s0+s8], $0x80, s2, s8, $0x2000b8;
	[tilespmem:$0x1F000] =	vst v63  }
0x94: {  	s3 =	sshll.u32 @!p1 s3, $0x2;
	s2 =	rddreg [dreg:$0x6]  }
0x95: {  	s2 =	sadd.s32 @!p1 s3, s2  }
0x96: {  	p3 =	slt.u32 @!p1 s2, $0x9C0  }
0x97: {  	p4 =	por @p0 p3, p2  }
0x98: {  	p4 =	por p4, !p0  }
0x99: {  	p2 =	por @p0 !p3, p2;
	s3 =	sshll.u32 @!p4 s2, $0x8  }
0x9a: {  	s29 =	sadd.s32 $0x1, s29;
	p3 =	por p2, !p0;
	s3 =	sadd.s32 @!p4 $0xFFF64000, s3  }
0x9b: {  	s7 =	rddreg [dreg:$0x7];
	s2 =	sshll.u32 @!p3 s2, $0x5;
	s3 =	sshrl.u32 @!p4 s3, $0x3  }
0x9c: {  	p0 =	por !p2, !p0;
	s2 =	sadd.s32 @!p3 s1, s2;
	s3 =	sadd.s32 @!p4 s7, s3  }
0x9d: {  	s3 =	smov.u32 @p0 s2;
	p0 =	sne.s32 s29, $0x28  }
.Ltmp2:
0x9e: {  	_ = 	snop;
	(pc) =	sbr.rel @p0 .LBB2_6-.Ltmp2, $3  }
0x9f: {  	_ =	sdelay $0x1  }
0xa0: {  	s2 =	simm.s32 @!p1 $0x0  }
0xa1: {  	[tilespmem:s30], [sflag:$0x5] =	stream.linear.gather @!p1 [hbm4b:s3+s2], $0x400, $0x200038;
	[tilespmem:$0x1F000] =	vst v63  }
0xa2: {  	_ =	strace $0x9000004C  }
0xa3: {  	_ =	strace $0x8000004D  }
0xa4: {  	s2 =	stileid.u32;
	[bflag:$0x0] =	sbarrier.arrive $0xFFFF  }
0xa5: {  	s2 =	sshll.u32 s2, $0x6;
	_ =	strace $0x9000004D  }
0xa6: {  	s3 =	sshrl.u32 s6, $0x3;
	s2 =	sor.u32 $0x1C05, s2;
	_ =	strace $0x8000004E  }
0xa7: {  	[hbm:s13], [sflag:s2] =	dma.local [spmem:s3], $0x2800  }
0xa8: {  	[hbm4b:s14+s20] =	stream.strided.scatter [tilespmem:s24], [sflag:$0x6], $0x2800, s19, s20, $0x200038;
	[tilespmem:$0x1F000] =	vst v63  }
0xa9: {  	s5 =	sadd.s32 $0x1, s5;
	_ =	swait.ge [sflag:s18], $0x2800  }
0xaa: {  	p0 =	sne.s32 s5, s15;
	[sflag:s18] =	ssyncset.done $0x0  }
.Ltmp3:
0xab: {  	[sflag:s18] =	ssyncadd.s32 $0xFFFFD800;
	(pc) =	sbr.rel @p0 .LBB2_1-.Ltmp3, $4  }
0xac: {  	_ =	swait.ge [sflag:s17], $0x2800  }
0xad: {  	[sflag:s17] =	ssyncset.done $0x0  }
0xae: {  	[sflag:s17] =	ssyncadd.s32 $0xFFFFD800  }
0xaf: {  	_ =	strace $0x9000004E  }
0xb0: {  	_ =	sfence.sel $0x180000  }
0xb1: {  	[bflag:$0x0] =	sbarrier.arrive $0xFFFF  }
0xb2: {  	_ =	strace $0x90000047  }
0xb3: {  	s0 =	stileid.u32;
	[bflag:$0x2] =	sbarrier.arrive $0xFFFF  }
0xb4: {  	p0 =	sne.s32 s0, $0x0;
	s0 =	rddreg [dreg:$0x5]  }
0xb5: {  	s0 =	sadd.s32 @!p0 $0x100000, s0  }
0xb6: {  	[sflag:s0] =	ssyncadd.tile.s32 @!p0 $0x1;
	_ =	shalt  }
.Lfunc_end2:
_tile_overlayer_lowered:
.L_overlay_start_2:
0xb7: {  	(tag) =	ssettag $0x2  }
0xb8: {  	s0 =	rddreg [dreg:$0x0];
	s2 =	stileid.u32  }
0xb9: {  	s1 =	rddreg [dreg:$0x1];
	p0 =	sne.s32 s2, $0x0  }
0xba: {  	s3 =	rddreg [dreg:$0x2];
	[bflag:$0x3] =	sbarrier.arrive $0xFFFF;
	s2 =	simm.s32 @!p0 $0x1C06  }
0xbb: {  	[timem:s3], [sflag:s2] =	dma.local @!p0 [hbm:s0], s1  }
0xbc: {  	s0 =	simm.s32 @!p0 $0x6  }
0xbd: {  	_ =	swait.ge @!p0 [sflag:s0], s1  }
0xbe: {  	s1 =	ssub.s32 @!p0 $0x0, s1;
	[sflag:s0] =	ssyncset.done @!p0 $0x0  }
0xbf: {  	[sflag:s0] =	ssyncadd.s32 @!p0 s1  }
0xc0: {  	[bflag:$0x3] =	sbarrier.arrive $0xFFFF  }
0xc1: {  	_ =	shalt  }

</sc_bundles>
